<compile_context>
chip_gen: v7x
topology: tpu7x:2x2x1
jax: 0.10.2.dev20260603
libtpu: 0.0.44.dev20260713+nightly
codegen_flags: <defaults>
</compile_context>

<pallas_src>
import functools

import jax
import jax.numpy as jnp
from jax import lax
from jax.experimental import pallas as pl
from jax.experimental.pallas import tpu as pltpu
from jax.experimental.pallas import tpu_sc as plsc

ZMAX = 100
NUM_FEATURES = 128
N_ATOMS = 16384

_NC = 2
_NS = 16
_NW = _NC * _NS
_B_PER_W = N_ATOMS // _NW
_LANES = 16

_CHUNK = 64
_N_CHUNK = _B_PER_W // _CHUNK
_N_GATHER = 2


def _table_body(ee_ref, cw_ref, ec_ref, out_ref):
    proj = lax.dot_general(
        ec_ref[...], cw_ref[...],
        dimension_numbers=(((1,), (1,)), ((), ())),
        preferred_element_type=jnp.float32,
    )
    out_ref[...] = ee_ref[...] + proj


_build_table = pl.pallas_call(
    _table_body,
    out_shape=jax.ShapeDtypeStruct((ZMAX, NUM_FEATURES), jnp.float32),
)

_sc_mesh = plsc.VectorSubcoreMesh(core_axis_name="c", subcore_axis_name="s")


@functools.partial(
    pl.kernel,
    mesh=_sc_mesh,
    out_type=jax.ShapeDtypeStruct((N_ATOMS, NUM_FEATURES), jnp.float32),
    scratch_types=[
        pltpu.VMEM_SHARED((ZMAX, NUM_FEATURES), jnp.float32),
        pltpu.VMEM((_N_CHUNK, _CHUNK, NUM_FEATURES), jnp.float32),
        pltpu.VMEM((_B_PER_W,), jnp.int32),
        pltpu.SemaphoreType.DMA((_N_CHUNK,)),
        pltpu.SemaphoreType.DMA((_N_CHUNK,)),
    ],
)
def _sc_lookup(table_hbm, idx_hbm, out_hbm, table_sh, rows_v, idx_v, ssem,
               gsem):
    sid = lax.axis_index("s")
    wid = sid * _NC + lax.axis_index("c")
    base = wid * _B_PER_W
    pltpu.sync_copy(idx_hbm.at[pl.ds(base, _B_PER_W)], idx_v)

    @pl.when(sid == 0)
    def _():
        pltpu.sync_copy(table_hbm, table_sh)

    plsc.subcore_barrier()

    gathers = [
        pltpu.async_copy(
            table_sh.at[idx_v.at[pl.ds(c * _CHUNK, _CHUNK)]],
            rows_v.at[c], gsem.at[c])
        for c in range(_N_CHUNK)
    ]
    scatters = []
    for c in range(_N_CHUNK):
        gathers[c].wait()
        scatters.append(pltpu.async_copy(
            rows_v.at[c], out_hbm.at[pl.ds(base + c * _CHUNK, _CHUNK)],
            ssem.at[c]))
    for s in scatters:
        s.wait()


def kernel(Z, element_embedding, config_weight, electron_config):
    table = _build_table(element_embedding, config_weight, electron_config)
    return _sc_lookup(table, Z.astype(jnp.int32))

# --- scband reference (transcript-rebuilt; emitter-appended) ---
"""Pipeline reference for scband-nuclear-embedding-34797825032582 (READ-ONLY COPY).

The authoritative reference and input builder live on the scoring server;
editing this copy changes nothing except your own understanding.
"""

import jax, jax.numpy as jnp
import numpy as np

ZMAX = 100
NUM_FEATURES = 128
N_CONFIG = 20  # electron configuration descriptor length
N_ATOMS = 16384


def setup_inputs(seed: int = 0) -> dict:
    key = jax.random.key(seed)
    k1, k2, k3, k4 = jax.random.split(key, 4)
    # Forward arg: nuclear charges of atoms
    Z = jax.random.randint(k1, (N_ATOMS,), 0, ZMAX, dtype=jnp.int64) if jax.config.jax_enable_x64 else jax.random.randint(k1, (N_ATOMS,), 0, ZMAX).astype(jnp.int32)
    # Learned parameters (zero_init=False -> non-trivial values)
    element_embedding = jax.random.uniform(k2, (ZMAX, NUM_FEATURES), minval=-np.sqrt(3.0), maxval=np.sqrt(3.0), dtype=jnp.float32)
    # config_linear: nn.Linear(N_CONFIG, NUM_FEATURES, bias=False) -> weight [NUM_FEATURES, N_CONFIG]
    config_weight = jax.random.normal(k3, (NUM_FEATURES, N_CONFIG), dtype=jnp.float32) * 0.05
    # Registered buffer: electron configuration table [ZMAX, N_CONFIG]
    electron_config = jax.random.uniform(k4, (ZMAX, N_CONFIG), dtype=jnp.float32)
    return {"Z": Z, "element_embedding": element_embedding, "config_weight": config_weight, "electron_config": electron_config}


def reference(Z, element_embedding, config_weight, electron_config):
    # training-mode path: embedding = element_embedding + config_linear(electron_config)
    embedding = element_embedding + electron_config @ config_weight.T  # [ZMAX, NUM_FEATURES]
    # gather rows by nuclear charge (equivalent to torch.gather with expanded index)
    x = jnp.take(embedding, Z, axis=0)  # [N, NUM_FEATURES]
    return x

if __name__ == "__main__":
    import jax
    _d = setup_inputs()
    print(jax.jit(kernel)(*tuple(_d.values())))

</pallas_src>

<mosaic_0001>
#map = affine_map<(d0, d1) -> (0, 0)>
#map1 = affine_map<(d0, d1) -> (0)>
module attributes {stable_mosaic.version = 14 : i64} {
  func.func @_sc_lookup(%arg0: i32, %arg1: i32, %arg2: memref<100x128xf32, #tpu.memory_space<hbm>>, %arg3: memref<16384xi32, #tpu.memory_space<hbm>>, %arg4: memref<16384x128xf32, #tpu.memory_space<hbm>>, %arg5: memref<100x128xf32, #tpu.memory_space<vmem_shared>>, %arg6: memref<8x64x128xf32, #tpu.memory_space<vmem>>, %arg7: memref<512xi32, #tpu.memory_space<vmem>>, %arg8: memref<8x!tpu.dma_semaphore, #tpu.memory_space<semaphore_mem>>, %arg9: memref<8x!tpu.dma_semaphore, #tpu.memory_space<semaphore_mem>>) attributes {dimension_semantics = [#tpu.dimension_semantics<core_parallel>, #tpu.dimension_semantics<subcore_parallel>], iteration_bounds = array<i64: 2, 16>, scalar_prefetch = 0 : i64, scratch_operands = 5 : i64, tpu.core_type = #tpu.core_type<sc_vector_subcore>, window_params = [{transform_indices = #map}, {transform_indices = #map1}, {transform_indices = #map}]} {
    %mul3A = arith.constant 2 : i32
    %mul3A_0 = arith.muli %arg1, %mul3A : i32
    %add3A = arith.addi %mul3A_0, %arg0 : i32
    %mul3A_1 = arith.constant 512 : i32
    %mul3A_2 = arith.muli %add3A, %mul3A_1 : i32
    "tpu.region"() ({
      %run_scoped3A = tpu.sem_alloc : memref<!tpu.dma_semaphore, #tpu.memory_space<semaphore_mem>>
      %dma_start3A_483 = tpu.memref_slice %arg3[%mul3A_2] : memref<16384xi32, #tpu.memory_space<hbm>> -> memref<512xi32, #tpu.memory_space<hbm>>
      %dma_start3A_484 = tpu.memref_slice %arg3[%mul3A_2] : memref<16384xi32, #tpu.memory_space<hbm>> -> memref<512xi32, #tpu.memory_space<hbm>>
      tpu.enqueue_dma source(%dma_start3A_484 : memref<512xi32, #tpu.memory_space<hbm>>) target(%arg7 : memref<512xi32, #tpu.memory_space<vmem>>) target_semaphore(%run_scoped3A : memref<!tpu.dma_semaphore, #tpu.memory_space<semaphore_mem>>)
      %dma_wait3A_485 = tpu.memref_slice %arg3[%mul3A_2] : memref<16384xi32, #tpu.memory_space<hbm>> -> memref<512xi32, #tpu.memory_space<hbm>>
      %dma_wait3A_486 = tpu.memref_slice %arg3[%mul3A_2] : memref<16384xi32, #tpu.memory_space<hbm>> -> memref<512xi32, #tpu.memory_space<hbm>>
      tpu.wait_dma2 semaphore(%run_scoped3A : memref<!tpu.dma_semaphore, #tpu.memory_space<semaphore_mem>>) src(%dma_wait3A_486 : memref<512xi32, #tpu.memory_space<hbm>>) dst(%arg7 : memref<512xi32, #tpu.memory_space<vmem>>)
      tpu.yield
    }) : () -> ()
    %eq3A = arith.constant 0 : i32
    %eq3A_3 = arith.cmpi eq, %arg1, %eq3A : i32
    %convert_element_type3A = arith.extui %eq3A_3 : i1 to i32
    %cond3A = arith.constant 0 : i32
    %cond3A_4 = arith.cmpi ne, %convert_element_type3A, %cond3A : i32
    scf.if %cond3A_4 {
      "tpu.region"() ({
        %run_scoped3A = tpu.sem_alloc : memref<!tpu.dma_semaphore, #tpu.memory_space<semaphore_mem>>
        tpu.enqueue_dma source(%arg2 : memref<100x128xf32, #tpu.memory_space<hbm>>) target(%arg5 : memref<100x128xf32, #tpu.memory_space<vmem_shared>>) target_semaphore(%run_scoped3A : memref<!tpu.dma_semaphore, #tpu.memory_space<semaphore_mem>>)
        tpu.wait_dma2 semaphore(%run_scoped3A : memref<!tpu.dma_semaphore, #tpu.memory_space<semaphore_mem>>) src(%arg2 : memref<100x128xf32, #tpu.memory_space<hbm>>) dst(%arg5 : memref<100x128xf32, #tpu.memory_space<vmem_shared>>)
        tpu.yield
      }) : () -> ()
    } else {
    }
    %barrier3A = arith.constant 0 : index
    tpu.barrier barrier_id(%barrier3A)
    %dma_start3A = arith.constant 0 : i32
    %dma_start3A_5 = arith.constant 0 : i32
    %dma_start3A_6 = arith.constant 0 : i32
    %dma_start3A_7 = arith.constant 0 : i32
    %dma_start3A_8 = tpu.memref_slice %arg6[%dma_start3A, %dma_start3A_6, %dma_start3A_7] : memref<8x64x128xf32, #tpu.memory_space<vmem>> -> memref<1x64x128xf32, #tpu.memory_space<vmem>>
    %dma_start3A_9 = tpu.memref_squeeze %dma_start3A_8 : memref<1x64x128xf32, #tpu.memory_space<vmem>> -> memref<64x128xf32, #tpu.memory_space<vmem>>
    %dma_start3A_10 = arith.constant 0 : i32
    %dma_start3A_11 = tpu.memref_slice %arg7[%dma_start3A_10] : memref<512xi32, #tpu.memory_space<vmem>> -> memref<64xi32, #tpu.memory_space<vmem>>
    %dma_start3A_12 = arith.constant 0 : i32
    %dma_start3A_13 = arith.constant 0 : i32
    %dma_start3A_14 = tpu.memref_slice %arg5[%dma_start3A_12, %dma_start3A_13] : memref<100x128xf32, #tpu.memory_space<vmem_shared>> -> memref<100x128xf32, #tpu.memory_space<vmem_shared>>
    %dma_start3A_15 = tpu.memref_slice %arg9[%dma_start3A_5] : memref<8x!tpu.dma_semaphore, #tpu.memory_space<semaphore_mem>> -> memref<1x!tpu.dma_semaphore, #tpu.memory_space<semaphore_mem>>
    %dma_start3A_16 = tpu.memref_squeeze %dma_start3A_15 : memref<1x!tpu.dma_semaphore, #tpu.memory_space<semaphore_mem>> -> memref<!tpu.dma_semaphore, #tpu.memory_space<semaphore_mem>>
    tpu.enqueue_indirect_dma source(%dma_start3A_14 : memref<100x128xf32, #tpu.memory_space<vmem_shared>>) target(%dma_start3A_9 : memref<64x128xf32, #tpu.memory_space<vmem>>) offsets(%dma_start3A_11 : memref<64xi32, #tpu.memory_space<vmem>>) semaphore(%dma_start3A_16 : memref<!tpu.dma_semaphore, #tpu.memory_space<semaphore_mem>>)
    %dma_start3A_17 = arith.constant 1 : i32
    %dma_start3A_18 = arith.constant 1 : i32
    %dma_start3A_19 = arith.constant 0 : i32
    %dma_start3A_20 = arith.constant 0 : i32
    %dma_start3A_21 = tpu.memref_slice %arg6[%dma_start3A_17, %dma_start3A_19, %dma_start3A_20] : memref<8x64x128xf32, #tpu.memory_space<vmem>> -> memref<1x64x128xf32, #tpu.memory_space<vmem>>
    %dma_start3A_22 = tpu.memref_squeeze %dma_start3A_21 : memref<1x64x128xf32, #tpu.memory_space<vmem>> -> memref<64x128xf32, #tpu.memory_space<vmem>>
    %dma_start3A_23 = arith.constant 64 : i32
    %dma_start3A_24 = tpu.memref_slice %arg7[%dma_start3A_23] : memref<512xi32, #tpu.memory_space<vmem>> -> memref<64xi32, #tpu.memory_space<vmem>>
    %dma_start3A_25 = arith.constant 0 : i32
    %dma_start3A_26 = arith.constant 0 : i32
    %dma_start3A_27 = tpu.memref_slice %arg5[%dma_start3A_25, %dma_start3A_26] : memref<100x128xf32, #tpu.memory_space<vmem_shared>> -> memref<100x128xf32, #tpu.memory_space<vmem_shared>>
    %dma_start3A_28 = tpu.memref_slice %arg9[%dma_start3A_18] : memref<8x!tpu.dma_semaphore, #tpu.memory_space<semaphore_mem>> -> memref<1x!tpu.dma_semaphore, #tpu.memory_space<semaphore_mem>>
    %dma_start3A_29 = tpu.memref_squeeze %dma_start3A_28 : memref<1x!tpu.dma_semaphore, #tpu.memory_space<semaphore_mem>> -> memref<!tpu.dma_semaphore, #tpu.memory_space<semaphore_mem>>
    tpu.enqueue_indirect_dma source(%dma_start3A_27 : memref<100x128xf32, #tpu.memory_space<vmem_shared>>) target(%dma_start3A_22 : memref<64x128xf32, #tpu.memory_space<vmem>>) offsets(%dma_start3A_24 : memref<64xi32, #tpu.memory_space<vmem>>) semaphore(%dma_start3A_29 : memref<!tpu.dma_semaphore, #tpu.memory_space<semaphore_mem>>)
    %dma_start3A_30 = arith.constant 2 : i32
    %dma_start3A_31 = arith.constant 2 : i32
    %dma_start3A_32 = arith.constant 0 : i32
    %dma_start3A_33 = arith.constant 0 : i32
    %dma_start3A_34 = tpu.memref_slice %arg6[%dma_start3A_30, %dma_start3A_32, %dma_start3A_33] : memref<8x64x128xf32, #tpu.memory_space<vmem>> -> memref<1x64x128xf32, #tpu.memory_space<vmem>>
    %dma_start3A_35 = tpu.memref_squeeze %dma_start3A_34 : memref<1x64x128xf32, #tpu.memory_space<vmem>> -> memref<64x128xf32, #tpu.memory_space<vmem>>
    %dma_start3A_36 = arith.constant 128 : i32
    %dma_start3A_37 = tpu.memref_slice %arg7[%dma_start3A_36] : memref<512xi32, #tpu.memory_space<vmem>> -> memref<64xi32, #tpu.memory_space<vmem>>
    %dma_start3A_38 = arith.constant 0 : i32
    %dma_start3A_39 = arith.constant 0 : i32
    %dma_start3A_40 = tpu.memref_slice %arg5[%dma_start3A_38, %dma_start3A_39] : memref<100x128xf32, #tpu.memory_space<vmem_shared>> -> memref<100x128xf32, #tpu.memory_space<vmem_shared>>
    %dma_start3A_41 = tpu.memref_slice %arg9[%dma_start3A_31] : memref<8x!tpu.dma_semaphore, #tpu.memory_space<semaphore_mem>> -> memref<1x!tpu.dma_semaphore, #tpu.memory_space<semaphore_mem>>
    %dma_start3A_42 = tpu.memref_squeeze %dma_start3A_41 : memref<1x!tpu.dma_semaphore, #tpu.memory_space<semaphore_mem>> -> memref<!tpu.dma_semaphore, #tpu.memory_space<semaphore_mem>>
    tpu.enqueue_indirect_dma source(%dma_start3A_40 : memref<100x128xf32, #tpu.memory_space<vmem_shared>>) target(%dma_start3A_35 : memref<64x128xf32, #tpu.memory_space<vmem>>) offsets(%dma_start3A_37 : memref<64xi32, #tpu.memory_space<vmem>>) semaphore(%dma_start3A_42 : memref<!tpu.dma_semaphore, #tpu.memory_space<semaphore_mem>>)
    %dma_start3A_43 = arith.constant 3 : i32
    %dma_start3A_44 = arith.constant 3 : i32
    %dma_start3A_45 = arith.constant 0 : i32
    %dma_start3A_46 = arith.constant 0 : i32
    %dma_start3A_47 = tpu.memref_slice %arg6[%dma_start3A_43, %dma_start3A_45, %dma_start3A_46] : memref<8x64x128xf32, #tpu.memory_space<vmem>> -> memref<1x64x128xf32, #tpu.memory_space<vmem>>
    %dma_start3A_48 = tpu.memref_squeeze %dma_start3A_47 : memref<1x64x128xf32, #tpu.memory_space<vmem>> -> memref<64x128xf32, #tpu.memory_space<vmem>>
    %dma_start3A_49 = arith.constant 192 : i32
    %dma_start3A_50 = tpu.memref_slice %arg7[%dma_start3A_49] : memref<512xi32, #tpu.memory_space<vmem>> -> memref<64xi32, #tpu.memory_space<vmem>>
    %dma_start3A_51 = arith.constant 0 : i32
    %dma_start3A_52 = arith.constant 0 : i32
    %dma_start3A_53 = tpu.memref_slice %arg5[%dma_start3A_51, %dma_start3A_52] : memref<100x128xf32, #tpu.memory_space<vmem_shared>> -> memref<100x128xf32, #tpu.memory_space<vmem_shared>>
    %dma_start3A_54 = tpu.memref_slice %arg9[%dma_start3A_44] : memref<8x!tpu.dma_semaphore, #tpu.memory_space<semaphore_mem>> -> memref<1x!tpu.dma_semaphore, #tpu.memory_space<semaphore_mem>>
    %dma_start3A_55 = tpu.memref_squeeze %dma_start3A_54 : memref<1x!tpu.dma_semaphore, #tpu.memory_space<semaphore_mem>> -> memref<!tpu.dma_semaphore, #tpu.memory_space<semaphore_mem>>
    tpu.enqueue_indirect_dma source(%dma_start3A_53 : memref<100x128xf32, #tpu.memory_space<vmem_shared>>) target(%dma_start3A_48 : memref<64x128xf32, #tpu.memory_space<vmem>>) offsets(%dma_start3A_50 : memref<64xi32, #tpu.memory_space<vmem>>) semaphore(%dma_start3A_55 : memref<!tpu.dma_semaphore, #tpu.memory_space<semaphore_mem>>)
    %dma_start3A_56 = arith.constant 4 : i32
    %dma_start3A_57 = arith.constant 4 : i32
    %dma_start3A_58 = arith.constant 0 : i32
    %dma_start3A_59 = arith.constant 0 : i32
    %dma_start3A_60 = tpu.memref_slice %arg6[%dma_start3A_56, %dma_start3A_58, %dma_start3A_59] : memref<8x64x128xf32, #tpu.memory_space<vmem>> -> memref<1x64x128xf32, #tpu.memory_space<vmem>>
    %dma_start3A_61 = tpu.memref_squeeze %dma_start3A_60 : memref<1x64x128xf32, #tpu.memory_space<vmem>> -> memref<64x128xf32, #tpu.memory_space<vmem>>
    %dma_start3A_62 = arith.constant 256 : i32
    %dma_start3A_63 = tpu.memref_slice %arg7[%dma_start3A_62] : memref<512xi32, #tpu.memory_space<vmem>> -> memref<64xi32, #tpu.memory_space<vmem>>
    %dma_start3A_64 = arith.constant 0 : i32
    %dma_start3A_65 = arith.constant 0 : i32
    %dma_start3A_66 = tpu.memref_slice %arg5[%dma_start3A_64, %dma_start3A_65] : memref<100x128xf32, #tpu.memory_space<vmem_shared>> -> memref<100x128xf32, #tpu.memory_space<vmem_shared>>
    %dma_start3A_67 = tpu.memref_slice %arg9[%dma_start3A_57] : memref<8x!tpu.dma_semaphore, #tpu.memory_space<semaphore_mem>> -> memref<1x!tpu.dma_semaphore, #tpu.memory_space<semaphore_mem>>
    %dma_start3A_68 = tpu.memref_squeeze %dma_start3A_67 : memref<1x!tpu.dma_semaphore, #tpu.memory_space<semaphore_mem>> -> memref<!tpu.dma_semaphore, #tpu.memory_space<semaphore_mem>>
    tpu.enqueue_indirect_dma source(%dma_start3A_66 : memref<100x128xf32, #tpu.memory_space<vmem_shared>>) target(%dma_start3A_61 : memref<64x128xf32, #tpu.memory_space<vmem>>) offsets(%dma_start3A_63 : memref<64xi32, #tpu.memory_space<vmem>>) semaphore(%dma_start3A_68 : memref<!tpu.dma_semaphore, #tpu.memory_space<semaphore_mem>>)
    %dma_start3A_69 = arith.constant 5 : i32
    %dma_start3A_70 = arith.constant 5 : i32
    %dma_start3A_71 = arith.constant 0 : i32
    %dma_start3A_72 = arith.constant 0 : i32
    %dma_start3A_73 = tpu.memref_slice %arg6[%dma_start3A_69, %dma_start3A_71, %dma_start3A_72] : memref<8x64x128xf32, #tpu.memory_space<vmem>> -> memref<1x64x128xf32, #tpu.memory_space<vmem>>
    %dma_start3A_74 = tpu.memref_squeeze %dma_start3A_73 : memref<1x64x128xf32, #tpu.memory_space<vmem>> -> memref<64x128xf32, #tpu.memory_space<vmem>>
    %dma_start3A_75 = arith.constant 320 : i32
    %dma_start3A_76 = tpu.memref_slice %arg7[%dma_start3A_75] : memref<512xi32, #tpu.memory_space<vmem>> -> memref<64xi32, #tpu.memory_space<vmem>>
    %dma_start3A_77 = arith.constant 0 : i32
    %dma_start3A_78 = arith.constant 0 : i32
    %dma_start3A_79 = tpu.memref_slice %arg5[%dma_start3A_77, %dma_start3A_78] : memref<100x128xf32, #tpu.memory_space<vmem_shared>> -> memref<100x128xf32, #tpu.memory_space<vmem_shared>>
    %dma_start3A_80 = tpu.memref_slice %arg9[%dma_start3A_70] : memref<8x!tpu.dma_semaphore, #tpu.memory_space<semaphore_mem>> -> memref<1x!tpu.dma_semaphore, #tpu.memory_space<semaphore_mem>>
    %dma_start3A_81 = tpu.memref_squeeze %dma_start3A_80 : memref<1x!tpu.dma_semaphore, #tpu.memory_space<semaphore_mem>> -> memref<!tpu.dma_semaphore, #tpu.memory_space<semaphore_mem>>
    tpu.enqueue_indirect_dma source(%dma_start3A_79 : memref<100x128xf32, #tpu.memory_space<vmem_shared>>) target(%dma_start3A_74 : memref<64x128xf32, #tpu.memory_space<vmem>>) offsets(%dma_start3A_76 : memref<64xi32, #tpu.memory_space<vmem>>) semaphore(%dma_start3A_81 : memref<!tpu.dma_semaphore, #tpu.memory_space<semaphore_mem>>)
    %dma_start3A_82 = arith.constant 6 : i32
    %dma_start3A_83 = arith.constant 6 : i32
    %dma_start3A_84 = arith.constant 0 : i32
    %dma_start3A_85 = arith.constant 0 : i32
    %dma_start3A_86 = tpu.memref_slice %arg6[%dma_start3A_82, %dma_start3A_84, %dma_start3A_85] : memref<8x64x128xf32, #tpu.memory_space<vmem>> -> memref<1x64x128xf32, #tpu.memory_space<vmem>>
    %dma_start3A_87 = tpu.memref_squeeze %dma_start3A_86 : memref<1x64x128xf32, #tpu.memory_space<vmem>> -> memref<64x128xf32, #tpu.memory_space<vmem>>
    %dma_start3A_88 = arith.constant 384 : i32
    %dma_start3A_89 = tpu.memref_slice %arg7[%dma_start3A_88] : memref<512xi32, #tpu.memory_space<vmem>> -> memref<64xi32, #tpu.memory_space<vmem>>
    %dma_start3A_90 = arith.constant 0 : i32
    %dma_start3A_91 = arith.constant 0 : i32
    %dma_start3A_92 = tpu.memref_slice %arg5[%dma_start3A_90, %dma_start3A_91] : memref<100x128xf32, #tpu.memory_space<vmem_shared>> -> memref<100x128xf32, #tpu.memory_space<vmem_shared>>
    %dma_start3A_93 = tpu.memref_slice %arg9[%dma_start3A_83] : memref<8x!tpu.dma_semaphore, #tpu.memory_space<semaphore_mem>> -> memref<1x!tpu.dma_semaphore, #tpu.memory_space<semaphore_mem>>
    %dma_start3A_94 = tpu.memref_squeeze %dma_start3A_93 : memref<1x!tpu.dma_semaphore, #tpu.memory_space<semaphore_mem>> -> memref<!tpu.dma_semaphore, #tpu.memory_space<semaphore_mem>>
    tpu.enqueue_indirect_dma source(%dma_start3A_92 : memref<100x128xf32, #tpu.memory_space<vmem_shared>>) target(%dma_start3A_87 : memref<64x128xf32, #tpu.memory_space<vmem>>) offsets(%dma_start3A_89 : memref<64xi32, #tpu.memory_space<vmem>>) semaphore(%dma_start3A_94 : memref<!tpu.dma_semaphore, #tpu.memory_space<semaphore_mem>>)
    %dma_start3A_95 = arith.constant 7 : i32
    %dma_start3A_96 = arith.constant 7 : i32
    %dma_start3A_97 = arith.constant 0 : i32
    %dma_start3A_98 = arith.constant 0 : i32
    %dma_start3A_99 = tpu.memref_slice %arg6[%dma_start3A_95, %dma_start3A_97, %dma_start3A_98] : memref<8x64x128xf32, #tpu.memory_space<vmem>> -> memref<1x64x128xf32, #tpu.memory_space<vmem>>
    %dma_start3A_100 = tpu.memref_squeeze %dma_start3A_99 : memref<1x64x128xf32, #tpu.memory_space<vmem>> -> memref<64x128xf32, #tpu.memory_space<vmem>>
    %dma_start3A_101 = arith.constant 448 : i32
    %dma_start3A_102 = tpu.memref_slice %arg7[%dma_start3A_101] : memref<512xi32, #tpu.memory_space<vmem>> -> memref<64xi32, #tpu.memory_space<vmem>>
    %dma_start3A_103 = arith.constant 0 : i32
    %dma_start3A_104 = arith.constant 0 : i32
    %dma_start3A_105 = tpu.memref_slice %arg5[%dma_start3A_103, %dma_start3A_104] : memref<100x128xf32, #tpu.memory_space<vmem_shared>> -> memref<100x128xf32, #tpu.memory_space<vmem_shared>>
    %dma_start3A_106 = tpu.memref_slice %arg9[%dma_start3A_96] : memref<8x!tpu.dma_semaphore, #tpu.memory_space<semaphore_mem>> -> memref<1x!tpu.dma_semaphore, #tpu.memory_space<semaphore_mem>>
    %dma_start3A_107 = tpu.memref_squeeze %dma_start3A_106 : memref<1x!tpu.dma_semaphore, #tpu.memory_space<semaphore_mem>> -> memref<!tpu.dma_semaphore, #tpu.memory_space<semaphore_mem>>
    tpu.enqueue_indirect_dma source(%dma_start3A_105 : memref<100x128xf32, #tpu.memory_space<vmem_shared>>) target(%dma_start3A_100 : memref<64x128xf32, #tpu.memory_space<vmem>>) offsets(%dma_start3A_102 : memref<64xi32, #tpu.memory_space<vmem>>) semaphore(%dma_start3A_107 : memref<!tpu.dma_semaphore, #tpu.memory_space<semaphore_mem>>)
    %dma_wait3A = arith.constant 0 : i32
    %dma_wait3A_108 = arith.constant 0 : i32
    %dma_wait3A_109 = arith.constant 0 : i32
    %dma_wait3A_110 = arith.constant 0 : i32
    %dma_wait3A_111 = tpu.memref_slice %arg6[%dma_wait3A, %dma_wait3A_109, %dma_wait3A_110] : memref<8x64x128xf32, #tpu.memory_space<vmem>> -> memref<1x64x128xf32, #tpu.memory_space<vmem>>
    %dma_wait3A_112 = tpu.memref_squeeze %dma_wait3A_111 : memref<1x64x128xf32, #tpu.memory_space<vmem>> -> memref<64x128xf32, #tpu.memory_space<vmem>>
    %dma_wait3A_113 = arith.constant 0 : i32
    %dma_wait3A_114 = tpu.memref_slice %arg7[%dma_wait3A_113] : memref<512xi32, #tpu.memory_space<vmem>> -> memref<64xi32, #tpu.memory_space<vmem>>
    %dma_wait3A_115 = arith.constant 0 : i32
    %dma_wait3A_116 = arith.constant 0 : i32
    %dma_wait3A_117 = tpu.memref_slice %arg5[%dma_wait3A_115, %dma_wait3A_116] : memref<100x128xf32, #tpu.memory_space<vmem_shared>> -> memref<100x128xf32, #tpu.memory_space<vmem_shared>>
    %dma_wait3A_118 = tpu.memref_slice %arg9[%dma_wait3A_108] : memref<8x!tpu.dma_semaphore, #tpu.memory_space<semaphore_mem>> -> memref<1x!tpu.dma_semaphore, #tpu.memory_space<semaphore_mem>>
    %dma_wait3A_119 = tpu.memref_squeeze %dma_wait3A_118 : memref<1x!tpu.dma_semaphore, #tpu.memory_space<semaphore_mem>> -> memref<!tpu.dma_semaphore, #tpu.memory_space<semaphore_mem>>
    tpu.wait_indirect_dma semaphore(%dma_wait3A_119 : memref<!tpu.dma_semaphore, #tpu.memory_space<semaphore_mem>>) src(%dma_wait3A_117 : memref<100x128xf32, #tpu.memory_space<vmem_shared>>) dst(%dma_wait3A_112 : memref<64x128xf32, #tpu.memory_space<vmem>>)
    %add3A_120 = arith.constant 0 : i32
    %add3A_121 = arith.addi %mul3A_2, %add3A_120 : i32
    %dma_start3A_122 = arith.constant 0 : i32
    %dma_start3A_123 = arith.constant 0 : i32
    %dma_start3A_124 = arith.constant 0 : i32
    %dma_start3A_125 = arith.constant 0 : i32
    %dma_start3A_126 = tpu.memref_slice %arg6[%dma_start3A_122, %dma_start3A_124, %dma_start3A_125] : memref<8x64x128xf32, #tpu.memory_space<vmem>> -> memref<1x64x128xf32, #tpu.memory_space<vmem>>
    %dma_start3A_127 = tpu.memref_squeeze %dma_start3A_126 : memref<1x64x128xf32, #tpu.memory_space<vmem>> -> memref<64x128xf32, #tpu.memory_space<vmem>>
    %dma_start3A_128 = arith.constant 0 : i32
    %dma_start3A_129 = tpu.memref_slice %arg4[%add3A_121, %dma_start3A_128] : memref<16384x128xf32, #tpu.memory_space<hbm>> -> memref<64x128xf32, #tpu.memory_space<hbm>>
    %dma_start3A_130 = tpu.memref_slice %arg8[%dma_start3A_123] : memref<8x!tpu.dma_semaphore, #tpu.memory_space<semaphore_mem>> -> memref<1x!tpu.dma_semaphore, #tpu.memory_space<semaphore_mem>>
    %dma_start3A_131 = tpu.memref_squeeze %dma_start3A_130 : memref<1x!tpu.dma_semaphore, #tpu.memory_space<semaphore_mem>> -> memref<!tpu.dma_semaphore, #tpu.memory_space<semaphore_mem>>
    %dma_start3A_132 = arith.constant 0 : i32
    %dma_start3A_133 = tpu.memref_slice %arg4[%add3A_121, %dma_start3A_132] : memref<16384x128xf32, #tpu.memory_space<hbm>> -> memref<64x128xf32, #tpu.memory_space<hbm>>
    %dma_start3A_134 = arith.constant 0 : i32
    %dma_start3A_135 = arith.constant 0 : i32
    %dma_start3A_136 = tpu.memref_slice %arg6[%dma_start3A_122, %dma_start3A_134, %dma_start3A_135] : memref<8x64x128xf32, #tpu.memory_space<vmem>> -> memref<1x64x128xf32, #tpu.memory_space<vmem>>
    %dma_start3A_137 = tpu.memref_squeeze %dma_start3A_136 : memref<1x64x128xf32, #tpu.memory_space<vmem>> -> memref<64x128xf32, #tpu.memory_space<vmem>>
    tpu.enqueue_dma source(%dma_start3A_137 : memref<64x128xf32, #tpu.memory_space<vmem>>) target(%dma_start3A_133 : memref<64x128xf32, #tpu.memory_space<hbm>>) target_semaphore(%dma_start3A_131 : memref<!tpu.dma_semaphore, #tpu.memory_space<semaphore_mem>>)
    %dma_wait3A_138 = arith.constant 1 : i32
    %dma_wait3A_139 = arith.constant 1 : i32
    %dma_wait3A_140 = arith.constant 0 : i32
    %dma_wait3A_141 = arith.constant 0 : i32
    %dma_wait3A_142 = tpu.memref_slice %arg6[%dma_wait3A_138, %dma_wait3A_140, %dma_wait3A_141] : memref<8x64x128xf32, #tpu.memory_space<vmem>> -> memref<1x64x128xf32, #tpu.memory_space<vmem>>
    %dma_wait3A_143 = tpu.memref_squeeze %dma_wait3A_142 : memref<1x64x128xf32, #tpu.memory_space<vmem>> -> memref<64x128xf32, #tpu.memory_space<vmem>>
    %dma_wait3A_144 = arith.constant 64 : i32
    %dma_wait3A_145 = tpu.memref_slice %arg7[%dma_wait3A_144] : memref<512xi32, #tpu.memory_space<vmem>> -> memref<64xi32, #tpu.memory_space<vmem>>
    %dma_wait3A_146 = arith.constant 0 : i32
    %dma_wait3A_147 = arith.constant 0 : i32
    %dma_wait3A_148 = tpu.memref_slice %arg5[%dma_wait3A_146, %dma_wait3A_147] : memref<100x128xf32, #tpu.memory_space<vmem_shared>> -> memref<100x128xf32, #tpu.memory_space<vmem_shared>>
    %dma_wait3A_149 = tpu.memref_slice %arg9[%dma_wait3A_139] : memref<8x!tpu.dma_semaphore, #tpu.memory_space<semaphore_mem>> -> memref<1x!tpu.dma_semaphore, #tpu.memory_space<semaphore_mem>>
    %dma_wait3A_150 = tpu.memref_squeeze %dma_wait3A_149 : memref<1x!tpu.dma_semaphore, #tpu.memory_space<semaphore_mem>> -> memref<!tpu.dma_semaphore, #tpu.memory_space<semaphore_mem>>
    tpu.wait_indirect_dma semaphore(%dma_wait3A_150 : memref<!tpu.dma_semaphore, #tpu.memory_space<semaphore_mem>>) src(%dma_wait3A_148 : memref<100x128xf32, #tpu.memory_space<vmem_shared>>) dst(%dma_wait3A_143 : memref<64x128xf32, #tpu.memory_space<vmem>>)
    %add3A_151 = arith.constant 64 : i32
    %add3A_152 = arith.addi %mul3A_2, %add3A_151 : i32
    %dma_start3A_153 = arith.constant 1 : i32
    %dma_start3A_154 = arith.constant 1 : i32
    %dma_start3A_155 = arith.constant 0 : i32
    %dma_start3A_156 = arith.constant 0 : i32
    %dma_start3A_157 = tpu.memref_slice %arg6[%dma_start3A_153, %dma_start3A_155, %dma_start3A_156] : memref<8x64x128xf32, #tpu.memory_space<vmem>> -> memref<1x64x128xf32, #tpu.memory_space<vmem>>
    %dma_start3A_158 = tpu.memref_squeeze %dma_start3A_157 : memref<1x64x128xf32, #tpu.memory_space<vmem>> -> memref<64x128xf32, #tpu.memory_space<vmem>>
    %dma_start3A_159 = arith.constant 0 : i32
    %dma_start3A_160 = tpu.memref_slice %arg4[%add3A_152, %dma_start3A_159] : memref<16384x128xf32, #tpu.memory_space<hbm>> -> memref<64x128xf32, #tpu.memory_space<hbm>>
    %dma_start3A_161 = tpu.memref_slice %arg8[%dma_start3A_154] : memref<8x!tpu.dma_semaphore, #tpu.memory_space<semaphore_mem>> -> memref<1x!tpu.dma_semaphore, #tpu.memory_space<semaphore_mem>>
    %dma_start3A_162 = tpu.memref_squeeze %dma_start3A_161 : memref<1x!tpu.dma_semaphore, #tpu.memory_space<semaphore_mem>> -> memref<!tpu.dma_semaphore, #tpu.memory_space<semaphore_mem>>
    %dma_start3A_163 = arith.constant 0 : i32
    %dma_start3A_164 = tpu.memref_slice %arg4[%add3A_152, %dma_start3A_163] : memref<16384x128xf32, #tpu.memory_space<hbm>> -> memref<64x128xf32, #tpu.memory_space<hbm>>
    %dma_start3A_165 = arith.constant 0 : i32
    %dma_start3A_166 = arith.constant 0 : i32
    %dma_start3A_167 = tpu.memref_slice %arg6[%dma_start3A_153, %dma_start3A_165, %dma_start3A_166] : memref<8x64x128xf32, #tpu.memory_space<vmem>> -> memref<1x64x128xf32, #tpu.memory_space<vmem>>
    %dma_start3A_168 = tpu.memref_squeeze %dma_start3A_167 : memref<1x64x128xf32, #tpu.memory_space<vmem>> -> memref<64x128xf32, #tpu.memory_space<vmem>>
    tpu.enqueue_dma source(%dma_start3A_168 : memref<64x128xf32, #tpu.memory_space<vmem>>) target(%dma_start3A_164 : memref<64x128xf32, #tpu.memory_space<hbm>>) target_semaphore(%dma_start3A_162 : memref<!tpu.dma_semaphore, #tpu.memory_space<semaphore_mem>>)
    %dma_wait3A_169 = arith.constant 2 : i32
    %dma_wait3A_170 = arith.constant 2 : i32
    %dma_wait3A_171 = arith.constant 0 : i32
    %dma_wait3A_172 = arith.constant 0 : i32
    %dma_wait3A_173 = tpu.memref_slice %arg6[%dma_wait3A_169, %dma_wait3A_171, %dma_wait3A_172] : memref<8x64x128xf32, #tpu.memory_space<vmem>> -> memref<1x64x128xf32, #tpu.memory_space<vmem>>
    %dma_wait3A_174 = tpu.memref_squeeze %dma_wait3A_173 : memref<1x64x128xf32, #tpu.memory_space<vmem>> -> memref<64x128xf32, #tpu.memory_space<vmem>>
    %dma_wait3A_175 = arith.constant 128 : i32
    %dma_wait3A_176 = tpu.memref_slice %arg7[%dma_wait3A_175] : memref<512xi32, #tpu.memory_space<vmem>> -> memref<64xi32, #tpu.memory_space<vmem>>
    %dma_wait3A_177 = arith.constant 0 : i32
    %dma_wait3A_178 = arith.constant 0 : i32
    %dma_wait3A_179 = tpu.memref_slice %arg5[%dma_wait3A_177, %dma_wait3A_178] : memref<100x128xf32, #tpu.memory_space<vmem_shared>> -> memref<100x128xf32, #tpu.memory_space<vmem_shared>>
    %dma_wait3A_180 = tpu.memref_slice %arg9[%dma_wait3A_170] : memref<8x!tpu.dma_semaphore, #tpu.memory_space<semaphore_mem>> -> memref<1x!tpu.dma_semaphore, #tpu.memory_space<semaphore_mem>>
    %dma_wait3A_181 = tpu.memref_squeeze %dma_wait3A_180 : memref<1x!tpu.dma_semaphore, #tpu.memory_space<semaphore_mem>> -> memref<!tpu.dma_semaphore, #tpu.memory_space<semaphore_mem>>
    tpu.wait_indirect_dma semaphore(%dma_wait3A_181 : memref<!tpu.dma_semaphore, #tpu.memory_space<semaphore_mem>>) src(%dma_wait3A_179 : memref<100x128xf32, #tpu.memory_space<vmem_shared>>) dst(%dma_wait3A_174 : memref<64x128xf32, #tpu.memory_space<vmem>>)
    %add3A_182 = arith.constant 128 : i32
    %add3A_183 = arith.addi %mul3A_2, %add3A_182 : i32
    %dma_start3A_184 = arith.constant 2 : i32
    %dma_start3A_185 = arith.constant 2 : i32
    %dma_start3A_186 = arith.constant 0 : i32
    %dma_start3A_187 = arith.constant 0 : i32
    %dma_start3A_188 = tpu.memref_slice %arg6[%dma_start3A_184, %dma_start3A_186, %dma_start3A_187] : memref<8x64x128xf32, #tpu.memory_space<vmem>> -> memref<1x64x128xf32, #tpu.memory_space<vmem>>
    %dma_start3A_189 = tpu.memref_squeeze %dma_start3A_188 : memref<1x64x128xf32, #tpu.memory_space<vmem>> -> memref<64x128xf32, #tpu.memory_space<vmem>>
    %dma_start3A_190 = arith.constant 0 : i32
    %dma_start3A_191 = tpu.memref_slice %arg4[%add3A_183, %dma_start3A_190] : memref<16384x128xf32, #tpu.memory_space<hbm>> -> memref<64x128xf32, #tpu.memory_space<hbm>>
    %dma_start3A_192 = tpu.memref_slice %arg8[%dma_start3A_185] : memref<8x!tpu.dma_semaphore, #tpu.memory_space<semaphore_mem>> -> memref<1x!tpu.dma_semaphore, #tpu.memory_space<semaphore_mem>>
    %dma_start3A_193 = tpu.memref_squeeze %dma_start3A_192 : memref<1x!tpu.dma_semaphore, #tpu.memory_space<semaphore_mem>> -> memref<!tpu.dma_semaphore, #tpu.memory_space<semaphore_mem>>
    %dma_start3A_194 = arith.constant 0 : i32
    %dma_start3A_195 = tpu.memref_slice %arg4[%add3A_183, %dma_start3A_194] : memref<16384x128xf32, #tpu.memory_space<hbm>> -> memref<64x128xf32, #tpu.memory_space<hbm>>
    %dma_start3A_196 = arith.constant 0 : i32
    %dma_start3A_197 = arith.constant 0 : i32
    %dma_start3A_198 = tpu.memref_slice %arg6[%dma_start3A_184, %dma_start3A_196, %dma_start3A_197] : memref<8x64x128xf32, #tpu.memory_space<vmem>> -> memref<1x64x128xf32, #tpu.memory_space<vmem>>
    %dma_start3A_199 = tpu.memref_squeeze %dma_start3A_198 : memref<1x64x128xf32, #tpu.memory_space<vmem>> -> memref<64x128xf32, #tpu.memory_space<vmem>>
    tpu.enqueue_dma source(%dma_start3A_199 : memref<64x128xf32, #tpu.memory_space<vmem>>) target(%dma_start3A_195 : memref<64x128xf32, #tpu.memory_space<hbm>>) target_semaphore(%dma_start3A_193 : memref<!tpu.dma_semaphore, #tpu.memory_space<semaphore_mem>>)
    %dma_wait3A_200 = arith.constant 3 : i32
    %dma_wait3A_201 = arith.constant 3 : i32
    %dma_wait3A_202 = arith.constant 0 : i32
    %dma_wait3A_203 = arith.constant 0 : i32
    %dma_wait3A_204 = tpu.memref_slice %arg6[%dma_wait3A_200, %dma_wait3A_202, %dma_wait3A_203] : memref<8x64x128xf32, #tpu.memory_space<vmem>> -> memref<1x64x128xf32, #tpu.memory_space<vmem>>
    %dma_wait3A_205 = tpu.memref_squeeze %dma_wait3A_204 : memref<1x64x128xf32, #tpu.memory_space<vmem>> -> memref<64x128xf32, #tpu.memory_space<vmem>>
    %dma_wait3A_206 = arith.constant 192 : i32
    %dma_wait3A_207 = tpu.memref_slice %arg7[%dma_wait3A_206] : memref<512xi32, #tpu.memory_space<vmem>> -> memref<64xi32, #tpu.memory_space<vmem>>
    %dma_wait3A_208 = arith.constant 0 : i32
    %dma_wait3A_209 = arith.constant 0 : i32
    %dma_wait3A_210 = tpu.memref_slice %arg5[%dma_wait3A_208, %dma_wait3A_209] : memref<100x128xf32, #tpu.memory_space<vmem_shared>> -> memref<100x128xf32, #tpu.memory_space<vmem_shared>>
    %dma_wait3A_211 = tpu.memref_slice %arg9[%dma_wait3A_201] : memref<8x!tpu.dma_semaphore, #tpu.memory_space<semaphore_mem>> -> memref<1x!tpu.dma_semaphore, #tpu.memory_space<semaphore_mem>>
    %dma_wait3A_212 = tpu.memref_squeeze %dma_wait3A_211 : memref<1x!tpu.dma_semaphore, #tpu.memory_space<semaphore_mem>> -> memref<!tpu.dma_semaphore, #tpu.memory_space<semaphore_mem>>
    tpu.wait_indirect_dma semaphore(%dma_wait3A_212 : memref<!tpu.dma_semaphore, #tpu.memory_space<semaphore_mem>>) src(%dma_wait3A_210 : memref<100x128xf32, #tpu.memory_space<vmem_shared>>) dst(%dma_wait3A_205 : memref<64x128xf32, #tpu.memory_space<vmem>>)
    %add3A_213 = arith.constant 192 : i32
    %add3A_214 = arith.addi %mul3A_2, %add3A_213 : i32
    %dma_start3A_215 = arith.constant 3 : i32
    %dma_start3A_216 = arith.constant 3 : i32
    %dma_start3A_217 = arith.constant 0 : i32
    %dma_start3A_218 = arith.constant 0 : i32
    %dma_start3A_219 = tpu.memref_slice %arg6[%dma_start3A_215, %dma_start3A_217, %dma_start3A_218] : memref<8x64x128xf32, #tpu.memory_space<vmem>> -> memref<1x64x128xf32, #tpu.memory_space<vmem>>
    %dma_start3A_220 = tpu.memref_squeeze %dma_start3A_219 : memref<1x64x128xf32, #tpu.memory_space<vmem>> -> memref<64x128xf32, #tpu.memory_space<vmem>>
    %dma_start3A_221 = arith.constant 0 : i32
    %dma_start3A_222 = tpu.memref_slice %arg4[%add3A_214, %dma_start3A_221] : memref<16384x128xf32, #tpu.memory_space<hbm>> -> memref<64x128xf32, #tpu.memory_space<hbm>>
    %dma_start3A_223 = tpu.memref_slice %arg8[%dma_start3A_216] : memref<8x!tpu.dma_semaphore, #tpu.memory_space<semaphore_mem>> -> memref<1x!tpu.dma_semaphore, #tpu.memory_space<semaphore_mem>>
    %dma_start3A_224 = tpu.memref_squeeze %dma_start3A_223 : memref<1x!tpu.dma_semaphore, #tpu.memory_space<semaphore_mem>> -> memref<!tpu.dma_semaphore, #tpu.memory_space<semaphore_mem>>
    %dma_start3A_225 = arith.constant 0 : i32
    %dma_start3A_226 = tpu.memref_slice %arg4[%add3A_214, %dma_start3A_225] : memref<16384x128xf32, #tpu.memory_space<hbm>> -> memref<64x128xf32, #tpu.memory_space<hbm>>
    %dma_start3A_227 = arith.constant 0 : i32
    %dma_start3A_228 = arith.constant 0 : i32
    %dma_start3A_229 = tpu.memref_slice %arg6[%dma_start3A_215, %dma_start3A_227, %dma_start3A_228] : memref<8x64x128xf32, #tpu.memory_space<vmem>> -> memref<1x64x128xf32, #tpu.memory_space<vmem>>
    %dma_start3A_230 = tpu.memref_squeeze %dma_start3A_229 : memref<1x64x128xf32, #tpu.memory_space<vmem>> -> memref<64x128xf32, #tpu.memory_space<vmem>>
    tpu.enqueue_dma source(%dma_start3A_230 : memref<64x128xf32, #tpu.memory_space<vmem>>) target(%dma_start3A_226 : memref<64x128xf32, #tpu.memory_space<hbm>>) target_semaphore(%dma_start3A_224 : memref<!tpu.dma_semaphore, #tpu.memory_space<semaphore_mem>>)
    %dma_wait3A_231 = arith.constant 4 : i32
    %dma_wait3A_232 = arith.constant 4 : i32
    %dma_wait3A_233 = arith.constant 0 : i32
    %dma_wait3A_234 = arith.constant 0 : i32
    %dma_wait3A_235 = tpu.memref_slice %arg6[%dma_wait3A_231, %dma_wait3A_233, %dma_wait3A_234] : memref<8x64x128xf32, #tpu.memory_space<vmem>> -> memref<1x64x128xf32, #tpu.memory_space<vmem>>
    %dma_wait3A_236 = tpu.memref_squeeze %dma_wait3A_235 : memref<1x64x128xf32, #tpu.memory_space<vmem>> -> memref<64x128xf32, #tpu.memory_space<vmem>>
    %dma_wait3A_237 = arith.constant 256 : i32
    %dma_wait3A_238 = tpu.memref_slice %arg7[%dma_wait3A_237] : memref<512xi32, #tpu.memory_space<vmem>> -> memref<64xi32, #tpu.memory_space<vmem>>
    %dma_wait3A_239 = arith.constant 0 : i32
    %dma_wait3A_240 = arith.constant 0 : i32
    %dma_wait3A_241 = tpu.memref_slice %arg5[%dma_wait3A_239, %dma_wait3A_240] : memref<100x128xf32, #tpu.memory_space<vmem_shared>> -> memref<100x128xf32, #tpu.memory_space<vmem_shared>>
    %dma_wait3A_242 = tpu.memref_slice %arg9[%dma_wait3A_232] : memref<8x!tpu.dma_semaphore, #tpu.memory_space<semaphore_mem>> -> memref<1x!tpu.dma_semaphore, #tpu.memory_space<semaphore_mem>>
    %dma_wait3A_243 = tpu.memref_squeeze %dma_wait3A_242 : memref<1x!tpu.dma_semaphore, #tpu.memory_space<semaphore_mem>> -> memref<!tpu.dma_semaphore, #tpu.memory_space<semaphore_mem>>
    tpu.wait_indirect_dma semaphore(%dma_wait3A_243 : memref<!tpu.dma_semaphore, #tpu.memory_space<semaphore_mem>>) src(%dma_wait3A_241 : memref<100x128xf32, #tpu.memory_space<vmem_shared>>) dst(%dma_wait3A_236 : memref<64x128xf32, #tpu.memory_space<vmem>>)
    %add3A_244 = arith.constant 256 : i32
    %add3A_245 = arith.addi %mul3A_2, %add3A_244 : i32
    %dma_start3A_246 = arith.constant 4 : i32
    %dma_start3A_247 = arith.constant 4 : i32
    %dma_start3A_248 = arith.constant 0 : i32
    %dma_start3A_249 = arith.constant 0 : i32
    %dma_start3A_250 = tpu.memref_slice %arg6[%dma_start3A_246, %dma_start3A_248, %dma_start3A_249] : memref<8x64x128xf32, #tpu.memory_space<vmem>> -> memref<1x64x128xf32, #tpu.memory_space<vmem>>
    %dma_start3A_251 = tpu.memref_squeeze %dma_start3A_250 : memref<1x64x128xf32, #tpu.memory_space<vmem>> -> memref<64x128xf32, #tpu.memory_space<vmem>>
    %dma_start3A_252 = arith.constant 0 : i32
    %dma_start3A_253 = tpu.memref_slice %arg4[%add3A_245, %dma_start3A_252] : memref<16384x128xf32, #tpu.memory_space<hbm>> -> memref<64x128xf32, #tpu.memory_space<hbm>>
    %dma_start3A_254 = tpu.memref_slice %arg8[%dma_start3A_247] : memref<8x!tpu.dma_semaphore, #tpu.memory_space<semaphore_mem>> -> memref<1x!tpu.dma_semaphore, #tpu.memory_space<semaphore_mem>>
    %dma_start3A_255 = tpu.memref_squeeze %dma_start3A_254 : memref<1x!tpu.dma_semaphore, #tpu.memory_space<semaphore_mem>> -> memref<!tpu.dma_semaphore, #tpu.memory_space<semaphore_mem>>
    %dma_start3A_256 = arith.constant 0 : i32
    %dma_start3A_257 = tpu.memref_slice %arg4[%add3A_245, %dma_start3A_256] : memref<16384x128xf32, #tpu.memory_space<hbm>> -> memref<64x128xf32, #tpu.memory_space<hbm>>
    %dma_start3A_258 = arith.constant 0 : i32
    %dma_start3A_259 = arith.constant 0 : i32
    %dma_start3A_260 = tpu.memref_slice %arg6[%dma_start3A_246, %dma_start3A_258, %dma_start3A_259] : memref<8x64x128xf32, #tpu.memory_space<vmem>> -> memref<1x64x128xf32, #tpu.memory_space<vmem>>
    %dma_start3A_261 = tpu.memref_squeeze %dma_start3A_260 : memref<1x64x128xf32, #tpu.memory_space<vmem>> -> memref<64x128xf32, #tpu.memory_space<vmem>>
    tpu.enqueue_dma source(%dma_start3A_261 : memref<64x128xf32, #tpu.memory_space<vmem>>) target(%dma_start3A_257 : memref<64x128xf32, #tpu.memory_space<hbm>>) target_semaphore(%dma_start3A_255 : memref<!tpu.dma_semaphore, #tpu.memory_space<semaphore_mem>>)
    %dma_wait3A_262 = arith.constant 5 : i32
    %dma_wait3A_263 = arith.constant 5 : i32
    %dma_wait3A_264 = arith.constant 0 : i32
    %dma_wait3A_265 = arith.constant 0 : i32
    %dma_wait3A_266 = tpu.memref_slice %arg6[%dma_wait3A_262, %dma_wait3A_264, %dma_wait3A_265] : memref<8x64x128xf32, #tpu.memory_space<vmem>> -> memref<1x64x128xf32, #tpu.memory_space<vmem>>
    %dma_wait3A_267 = tpu.memref_squeeze %dma_wait3A_266 : memref<1x64x128xf32, #tpu.memory_space<vmem>> -> memref<64x128xf32, #tpu.memory_space<vmem>>
    %dma_wait3A_268 = arith.constant 320 : i32
    %dma_wait3A_269 = tpu.memref_slice %arg7[%dma_wait3A_268] : memref<512xi32, #tpu.memory_space<vmem>> -> memref<64xi32, #tpu.memory_space<vmem>>
    %dma_wait3A_270 = arith.constant 0 : i32
    %dma_wait3A_271 = arith.constant 0 : i32
    %dma_wait3A_272 = tpu.memref_slice %arg5[%dma_wait3A_270, %dma_wait3A_271] : memref<100x128xf32, #tpu.memory_space<vmem_shared>> -> memref<100x128xf32, #tpu.memory_space<vmem_shared>>
    %dma_wait3A_273 = tpu.memref_slice %arg9[%dma_wait3A_263] : memref<8x!tpu.dma_semaphore, #tpu.memory_space<semaphore_mem>> -> memref<1x!tpu.dma_semaphore, #tpu.memory_space<semaphore_mem>>
    %dma_wait3A_274 = tpu.memref_squeeze %dma_wait3A_273 : memref<1x!tpu.dma_semaphore, #tpu.memory_space<semaphore_mem>> -> memref<!tpu.dma_semaphore, #tpu.memory_space<semaphore_mem>>
    tpu.wait_indirect_dma semaphore(%dma_wait3A_274 : memref<!tpu.dma_semaphore, #tpu.memory_space<semaphore_mem>>) src(%dma_wait3A_272 : memref<100x128xf32, #tpu.memory_space<vmem_shared>>) dst(%dma_wait3A_267 : memref<64x128xf32, #tpu.memory_space<vmem>>)
    %add3A_275 = arith.constant 320 : i32
    %add3A_276 = arith.addi %mul3A_2, %add3A_275 : i32
    %dma_start3A_277 = arith.constant 5 : i32
    %dma_start3A_278 = arith.constant 5 : i32
    %dma_start3A_279 = arith.constant 0 : i32
    %dma_start3A_280 = arith.constant 0 : i32
    %dma_start3A_281 = tpu.memref_slice %arg6[%dma_start3A_277, %dma_start3A_279, %dma_start3A_280] : memref<8x64x128xf32, #tpu.memory_space<vmem>> -> memref<1x64x128xf32, #tpu.memory_space<vmem>>
    %dma_start3A_282 = tpu.memref_squeeze %dma_start3A_281 : memref<1x64x128xf32, #tpu.memory_space<vmem>> -> memref<64x128xf32, #tpu.memory_space<vmem>>
    %dma_start3A_283 = arith.constant 0 : i32
    %dma_start3A_284 = tpu.memref_slice %arg4[%add3A_276, %dma_start3A_283] : memref<16384x128xf32, #tpu.memory_space<hbm>> -> memref<64x128xf32, #tpu.memory_space<hbm>>
    %dma_start3A_285 = tpu.memref_slice %arg8[%dma_start3A_278] : memref<8x!tpu.dma_semaphore, #tpu.memory_space<semaphore_mem>> -> memref<1x!tpu.dma_semaphore, #tpu.memory_space<semaphore_mem>>
    %dma_start3A_286 = tpu.memref_squeeze %dma_start3A_285 : memref<1x!tpu.dma_semaphore, #tpu.memory_space<semaphore_mem>> -> memref<!tpu.dma_semaphore, #tpu.memory_space<semaphore_mem>>
    %dma_start3A_287 = arith.constant 0 : i32
    %dma_start3A_288 = tpu.memref_slice %arg4[%add3A_276, %dma_start3A_287] : memref<16384x128xf32, #tpu.memory_space<hbm>> -> memref<64x128xf32, #tpu.memory_space<hbm>>
    %dma_start3A_289 = arith.constant 0 : i32
    %dma_start3A_290 = arith.constant 0 : i32
    %dma_start3A_291 = tpu.memref_slice %arg6[%dma_start3A_277, %dma_start3A_289, %dma_start3A_290] : memref<8x64x128xf32, #tpu.memory_space<vmem>> -> memref<1x64x128xf32, #tpu.memory_space<vmem>>
    %dma_start3A_292 = tpu.memref_squeeze %dma_start3A_291 : memref<1x64x128xf32, #tpu.memory_space<vmem>> -> memref<64x128xf32, #tpu.memory_space<vmem>>
    tpu.enqueue_dma source(%dma_start3A_292 : memref<64x128xf32, #tpu.memory_space<vmem>>) target(%dma_start3A_288 : memref<64x128xf32, #tpu.memory_space<hbm>>) target_semaphore(%dma_start3A_286 : memref<!tpu.dma_semaphore, #tpu.memory_space<semaphore_mem>>)
    %dma_wait3A_293 = arith.constant 6 : i32
    %dma_wait3A_294 = arith.constant 6 : i32
    %dma_wait3A_295 = arith.constant 0 : i32
    %dma_wait3A_296 = arith.constant 0 : i32
    %dma_wait3A_297 = tpu.memref_slice %arg6[%dma_wait3A_293, %dma_wait3A_295, %dma_wait3A_296] : memref<8x64x128xf32, #tpu.memory_space<vmem>> -> memref<1x64x128xf32, #tpu.memory_space<vmem>>
    %dma_wait3A_298 = tpu.memref_squeeze %dma_wait3A_297 : memref<1x64x128xf32, #tpu.memory_space<vmem>> -> memref<64x128xf32, #tpu.memory_space<vmem>>
    %dma_wait3A_299 = arith.constant 384 : i32
    %dma_wait3A_300 = tpu.memref_slice %arg7[%dma_wait3A_299] : memref<512xi32, #tpu.memory_space<vmem>> -> memref<64xi32, #tpu.memory_space<vmem>>
    %dma_wait3A_301 = arith.constant 0 : i32
    %dma_wait3A_302 = arith.constant 0 : i32
    %dma_wait3A_303 = tpu.memref_slice %arg5[%dma_wait3A_301, %dma_wait3A_302] : memref<100x128xf32, #tpu.memory_space<vmem_shared>> -> memref<100x128xf32, #tpu.memory_space<vmem_shared>>
    %dma_wait3A_304 = tpu.memref_slice %arg9[%dma_wait3A_294] : memref<8x!tpu.dma_semaphore, #tpu.memory_space<semaphore_mem>> -> memref<1x!tpu.dma_semaphore, #tpu.memory_space<semaphore_mem>>
    %dma_wait3A_305 = tpu.memref_squeeze %dma_wait3A_304 : memref<1x!tpu.dma_semaphore, #tpu.memory_space<semaphore_mem>> -> memref<!tpu.dma_semaphore, #tpu.memory_space<semaphore_mem>>
    tpu.wait_indirect_dma semaphore(%dma_wait3A_305 : memref<!tpu.dma_semaphore, #tpu.memory_space<semaphore_mem>>) src(%dma_wait3A_303 : memref<100x128xf32, #tpu.memory_space<vmem_shared>>) dst(%dma_wait3A_298 : memref<64x128xf32, #tpu.memory_space<vmem>>)
    %add3A_306 = arith.constant 384 : i32
    %add3A_307 = arith.addi %mul3A_2, %add3A_306 : i32
    %dma_start3A_308 = arith.constant 6 : i32
    %dma_start3A_309 = arith.constant 6 : i32
    %dma_start3A_310 = arith.constant 0 : i32
    %dma_start3A_311 = arith.constant 0 : i32
    %dma_start3A_312 = tpu.memref_slice %arg6[%dma_start3A_308, %dma_start3A_310, %dma_start3A_311] : memref<8x64x128xf32, #tpu.memory_space<vmem>> -> memref<1x64x128xf32, #tpu.memory_space<vmem>>
    %dma_start3A_313 = tpu.memref_squeeze %dma_start3A_312 : memref<1x64x128xf32, #tpu.memory_space<vmem>> -> memref<64x128xf32, #tpu.memory_space<vmem>>
    %dma_start3A_314 = arith.constant 0 : i32
    %dma_start3A_315 = tpu.memref_slice %arg4[%add3A_307, %dma_start3A_314] : memref<16384x128xf32, #tpu.memory_space<hbm>> -> memref<64x128xf32, #tpu.memory_space<hbm>>
    %dma_start3A_316 = tpu.memref_slice %arg8[%dma_start3A_309] : memref<8x!tpu.dma_semaphore, #tpu.memory_space<semaphore_mem>> -> memref<1x!tpu.dma_semaphore, #tpu.memory_space<semaphore_mem>>
    %dma_start3A_317 = tpu.memref_squeeze %dma_start3A_316 : memref<1x!tpu.dma_semaphore, #tpu.memory_space<semaphore_mem>> -> memref<!tpu.dma_semaphore, #tpu.memory_space<semaphore_mem>>
    %dma_start3A_318 = arith.constant 0 : i32
    %dma_start3A_319 = tpu.memref_slice %arg4[%add3A_307, %dma_start3A_318] : memref<16384x128xf32, #tpu.memory_space<hbm>> -> memref<64x128xf32, #tpu.memory_space<hbm>>
    %dma_start3A_320 = arith.constant 0 : i32
    %dma_start3A_321 = arith.constant 0 : i32
    %dma_start3A_322 = tpu.memref_slice %arg6[%dma_start3A_308, %dma_start3A_320, %dma_start3A_321] : memref<8x64x128xf32, #tpu.memory_space<vmem>> -> memref<1x64x128xf32, #tpu.memory_space<vmem>>
    %dma_start3A_323 = tpu.memref_squeeze %dma_start3A_322 : memref<1x64x128xf32, #tpu.memory_space<vmem>> -> memref<64x128xf32, #tpu.memory_space<vmem>>
    tpu.enqueue_dma source(%dma_start3A_323 : memref<64x128xf32, #tpu.memory_space<vmem>>) target(%dma_start3A_319 : memref<64x128xf32, #tpu.memory_space<hbm>>) target_semaphore(%dma_start3A_317 : memref<!tpu.dma_semaphore, #tpu.memory_space<semaphore_mem>>)
    %dma_wait3A_324 = arith.constant 7 : i32
    %dma_wait3A_325 = arith.constant 7 : i32
    %dma_wait3A_326 = arith.constant 0 : i32
    %dma_wait3A_327 = arith.constant 0 : i32
    %dma_wait3A_328 = tpu.memref_slice %arg6[%dma_wait3A_324, %dma_wait3A_326, %dma_wait3A_327] : memref<8x64x128xf32, #tpu.memory_space<vmem>> -> memref<1x64x128xf32, #tpu.memory_space<vmem>>
    %dma_wait3A_329 = tpu.memref_squeeze %dma_wait3A_328 : memref<1x64x128xf32, #tpu.memory_space<vmem>> -> memref<64x128xf32, #tpu.memory_space<vmem>>
    %dma_wait3A_330 = arith.constant 448 : i32
    %dma_wait3A_331 = tpu.memref_slice %arg7[%dma_wait3A_330] : memref<512xi32, #tpu.memory_space<vmem>> -> memref<64xi32, #tpu.memory_space<vmem>>
    %dma_wait3A_332 = arith.constant 0 : i32
    %dma_wait3A_333 = arith.constant 0 : i32
    %dma_wait3A_334 = tpu.memref_slice %arg5[%dma_wait3A_332, %dma_wait3A_333] : memref<100x128xf32, #tpu.memory_space<vmem_shared>> -> memref<100x128xf32, #tpu.memory_space<vmem_shared>>
    %dma_wait3A_335 = tpu.memref_slice %arg9[%dma_wait3A_325] : memref<8x!tpu.dma_semaphore, #tpu.memory_space<semaphore_mem>> -> memref<1x!tpu.dma_semaphore, #tpu.memory_space<semaphore_mem>>
    %dma_wait3A_336 = tpu.memref_squeeze %dma_wait3A_335 : memref<1x!tpu.dma_semaphore, #tpu.memory_space<semaphore_mem>> -> memref<!tpu.dma_semaphore, #tpu.memory_space<semaphore_mem>>
    tpu.wait_indirect_dma semaphore(%dma_wait3A_336 : memref<!tpu.dma_semaphore, #tpu.memory_space<semaphore_mem>>) src(%dma_wait3A_334 : memref<100x128xf32, #tpu.memory_space<vmem_shared>>) dst(%dma_wait3A_329 : memref<64x128xf32, #tpu.memory_space<vmem>>)
    %add3A_337 = arith.constant 448 : i32
    %add3A_338 = arith.addi %mul3A_2, %add3A_337 : i32
    %dma_start3A_339 = arith.constant 7 : i32
    %dma_start3A_340 = arith.constant 7 : i32
    %dma_start3A_341 = arith.constant 0 : i32
    %dma_start3A_342 = arith.constant 0 : i32
    %dma_start3A_343 = tpu.memref_slice %arg6[%dma_start3A_339, %dma_start3A_341, %dma_start3A_342] : memref<8x64x128xf32, #tpu.memory_space<vmem>> -> memref<1x64x128xf32, #tpu.memory_space<vmem>>
    %dma_start3A_344 = tpu.memref_squeeze %dma_start3A_343 : memref<1x64x128xf32, #tpu.memory_space<vmem>> -> memref<64x128xf32, #tpu.memory_space<vmem>>
    %dma_start3A_345 = arith.constant 0 : i32
    %dma_start3A_346 = tpu.memref_slice %arg4[%add3A_338, %dma_start3A_345] : memref<16384x128xf32, #tpu.memory_space<hbm>> -> memref<64x128xf32, #tpu.memory_space<hbm>>
    %dma_start3A_347 = tpu.memref_slice %arg8[%dma_start3A_340] : memref<8x!tpu.dma_semaphore, #tpu.memory_space<semaphore_mem>> -> memref<1x!tpu.dma_semaphore, #tpu.memory_space<semaphore_mem>>
    %dma_start3A_348 = tpu.memref_squeeze %dma_start3A_347 : memref<1x!tpu.dma_semaphore, #tpu.memory_space<semaphore_mem>> -> memref<!tpu.dma_semaphore, #tpu.memory_space<semaphore_mem>>
    %dma_start3A_349 = arith.constant 0 : i32
    %dma_start3A_350 = tpu.memref_slice %arg4[%add3A_338, %dma_start3A_349] : memref<16384x128xf32, #tpu.memory_space<hbm>> -> memref<64x128xf32, #tpu.memory_space<hbm>>
    %dma_start3A_351 = arith.constant 0 : i32
    %dma_start3A_352 = arith.constant 0 : i32
    %dma_start3A_353 = tpu.memref_slice %arg6[%dma_start3A_339, %dma_start3A_351, %dma_start3A_352] : memref<8x64x128xf32, #tpu.memory_space<vmem>> -> memref<1x64x128xf32, #tpu.memory_space<vmem>>
    %dma_start3A_354 = tpu.memref_squeeze %dma_start3A_353 : memref<1x64x128xf32, #tpu.memory_space<vmem>> -> memref<64x128xf32, #tpu.memory_space<vmem>>
    tpu.enqueue_dma source(%dma_start3A_354 : memref<64x128xf32, #tpu.memory_space<vmem>>) target(%dma_start3A_350 : memref<64x128xf32, #tpu.memory_space<hbm>>) target_semaphore(%dma_start3A_348 : memref<!tpu.dma_semaphore, #tpu.memory_space<semaphore_mem>>)
    %dma_wait3A_355 = arith.constant 0 : i32
    %dma_wait3A_356 = arith.constant 0 : i32
    %dma_wait3A_357 = arith.constant 0 : i32
    %dma_wait3A_358 = arith.constant 0 : i32
    %dma_wait3A_359 = tpu.memref_slice %arg6[%dma_wait3A_355, %dma_wait3A_357, %dma_wait3A_358] : memref<8x64x128xf32, #tpu.memory_space<vmem>> -> memref<1x64x128xf32, #tpu.memory_space<vmem>>
    %dma_wait3A_360 = tpu.memref_squeeze %dma_wait3A_359 : memref<1x64x128xf32, #tpu.memory_space<vmem>> -> memref<64x128xf32, #tpu.memory_space<vmem>>
    %dma_wait3A_361 = arith.constant 0 : i32
    %dma_wait3A_362 = tpu.memref_slice %arg4[%add3A_121, %dma_wait3A_361] : memref<16384x128xf32, #tpu.memory_space<hbm>> -> memref<64x128xf32, #tpu.memory_space<hbm>>
    %dma_wait3A_363 = tpu.memref_slice %arg8[%dma_wait3A_356] : memref<8x!tpu.dma_semaphore, #tpu.memory_space<semaphore_mem>> -> memref<1x!tpu.dma_semaphore, #tpu.memory_space<semaphore_mem>>
    %dma_wait3A_364 = tpu.memref_squeeze %dma_wait3A_363 : memref<1x!tpu.dma_semaphore, #tpu.memory_space<semaphore_mem>> -> memref<!tpu.dma_semaphore, #tpu.memory_space<semaphore_mem>>
    %dma_wait3A_365 = arith.constant 0 : i32
    %dma_wait3A_366 = tpu.memref_slice %arg4[%add3A_121, %dma_wait3A_365] : memref<16384x128xf32, #tpu.memory_space<hbm>> -> memref<64x128xf32, #tpu.memory_space<hbm>>
    %dma_wait3A_367 = arith.constant 0 : i32
    %dma_wait3A_368 = arith.constant 0 : i32
    %dma_wait3A_369 = tpu.memref_slice %arg6[%dma_wait3A_355, %dma_wait3A_367, %dma_wait3A_368] : memref<8x64x128xf32, #tpu.memory_space<vmem>> -> memref<1x64x128xf32, #tpu.memory_space<vmem>>
    %dma_wait3A_370 = tpu.memref_squeeze %dma_wait3A_369 : memref<1x64x128xf32, #tpu.memory_space<vmem>> -> memref<64x128xf32, #tpu.memory_space<vmem>>
    tpu.wait_dma2 semaphore(%dma_wait3A_364 : memref<!tpu.dma_semaphore, #tpu.memory_space<semaphore_mem>>) src(%dma_wait3A_370 : memref<64x128xf32, #tpu.memory_space<vmem>>) dst(%dma_wait3A_366 : memref<64x128xf32, #tpu.memory_space<hbm>>)
    %dma_wait3A_371 = arith.constant 1 : i32
    %dma_wait3A_372 = arith.constant 1 : i32
    %dma_wait3A_373 = arith.constant 0 : i32
    %dma_wait3A_374 = arith.constant 0 : i32
    %dma_wait3A_375 = tpu.memref_slice %arg6[%dma_wait3A_371, %dma_wait3A_373, %dma_wait3A_374] : memref<8x64x128xf32, #tpu.memory_space<vmem>> -> memref<1x64x128xf32, #tpu.memory_space<vmem>>
    %dma_wait3A_376 = tpu.memref_squeeze %dma_wait3A_375 : memref<1x64x128xf32, #tpu.memory_space<vmem>> -> memref<64x128xf32, #tpu.memory_space<vmem>>
    %dma_wait3A_377 = arith.constant 0 : i32
    %dma_wait3A_378 = tpu.memref_slice %arg4[%add3A_152, %dma_wait3A_377] : memref<16384x128xf32, #tpu.memory_space<hbm>> -> memref<64x128xf32, #tpu.memory_space<hbm>>
    %dma_wait3A_379 = tpu.memref_slice %arg8[%dma_wait3A_372] : memref<8x!tpu.dma_semaphore, #tpu.memory_space<semaphore_mem>> -> memref<1x!tpu.dma_semaphore, #tpu.memory_space<semaphore_mem>>
    %dma_wait3A_380 = tpu.memref_squeeze %dma_wait3A_379 : memref<1x!tpu.dma_semaphore, #tpu.memory_space<semaphore_mem>> -> memref<!tpu.dma_semaphore, #tpu.memory_space<semaphore_mem>>
    %dma_wait3A_381 = arith.constant 0 : i32
    %dma_wait3A_382 = tpu.memref_slice %arg4[%add3A_152, %dma_wait3A_381] : memref<16384x128xf32, #tpu.memory_space<hbm>> -> memref<64x128xf32, #tpu.memory_space<hbm>>
    %dma_wait3A_383 = arith.constant 0 : i32
    %dma_wait3A_384 = arith.constant 0 : i32
    %dma_wait3A_385 = tpu.memref_slice %arg6[%dma_wait3A_371, %dma_wait3A_383, %dma_wait3A_384] : memref<8x64x128xf32, #tpu.memory_space<vmem>> -> memref<1x64x128xf32, #tpu.memory_space<vmem>>
    %dma_wait3A_386 = tpu.memref_squeeze %dma_wait3A_385 : memref<1x64x128xf32, #tpu.memory_space<vmem>> -> memref<64x128xf32, #tpu.memory_space<vmem>>
    tpu.wait_dma2 semaphore(%dma_wait3A_380 : memref<!tpu.dma_semaphore, #tpu.memory_space<semaphore_mem>>) src(%dma_wait3A_386 : memref<64x128xf32, #tpu.memory_space<vmem>>) dst(%dma_wait3A_382 : memref<64x128xf32, #tpu.memory_space<hbm>>)
    %dma_wait3A_387 = arith.constant 2 : i32
    %dma_wait3A_388 = arith.constant 2 : i32
    %dma_wait3A_389 = arith.constant 0 : i32
    %dma_wait3A_390 = arith.constant 0 : i32
    %dma_wait3A_391 = tpu.memref_slice %arg6[%dma_wait3A_387, %dma_wait3A_389, %dma_wait3A_390] : memref<8x64x128xf32, #tpu.memory_space<vmem>> -> memref<1x64x128xf32, #tpu.memory_space<vmem>>
    %dma_wait3A_392 = tpu.memref_squeeze %dma_wait3A_391 : memref<1x64x128xf32, #tpu.memory_space<vmem>> -> memref<64x128xf32, #tpu.memory_space<vmem>>
    %dma_wait3A_393 = arith.constant 0 : i32
    %dma_wait3A_394 = tpu.memref_slice %arg4[%add3A_183, %dma_wait3A_393] : memref<16384x128xf32, #tpu.memory_space<hbm>> -> memref<64x128xf32, #tpu.memory_space<hbm>>
    %dma_wait3A_395 = tpu.memref_slice %arg8[%dma_wait3A_388] : memref<8x!tpu.dma_semaphore, #tpu.memory_space<semaphore_mem>> -> memref<1x!tpu.dma_semaphore, #tpu.memory_space<semaphore_mem>>
    %dma_wait3A_396 = tpu.memref_squeeze %dma_wait3A_395 : memref<1x!tpu.dma_semaphore, #tpu.memory_space<semaphore_mem>> -> memref<!tpu.dma_semaphore, #tpu.memory_space<semaphore_mem>>
    %dma_wait3A_397 = arith.constant 0 : i32
    %dma_wait3A_398 = tpu.memref_slice %arg4[%add3A_183, %dma_wait3A_397] : memref<16384x128xf32, #tpu.memory_space<hbm>> -> memref<64x128xf32, #tpu.memory_space<hbm>>
    %dma_wait3A_399 = arith.constant 0 : i32
    %dma_wait3A_400 = arith.constant 0 : i32
    %dma_wait3A_401 = tpu.memref_slice %arg6[%dma_wait3A_387, %dma_wait3A_399, %dma_wait3A_400] : memref<8x64x128xf32, #tpu.memory_space<vmem>> -> memref<1x64x128xf32, #tpu.memory_space<vmem>>
    %dma_wait3A_402 = tpu.memref_squeeze %dma_wait3A_401 : memref<1x64x128xf32, #tpu.memory_space<vmem>> -> memref<64x128xf32, #tpu.memory_space<vmem>>
    tpu.wait_dma2 semaphore(%dma_wait3A_396 : memref<!tpu.dma_semaphore, #tpu.memory_space<semaphore_mem>>) src(%dma_wait3A_402 : memref<64x128xf32, #tpu.memory_space<vmem>>) dst(%dma_wait3A_398 : memref<64x128xf32, #tpu.memory_space<hbm>>)
    %dma_wait3A_403 = arith.constant 3 : i32
    %dma_wait3A_404 = arith.constant 3 : i32
    %dma_wait3A_405 = arith.constant 0 : i32
    %dma_wait3A_406 = arith.constant 0 : i32
    %dma_wait3A_407 = tpu.memref_slice %arg6[%dma_wait3A_403, %dma_wait3A_405, %dma_wait3A_406] : memref<8x64x128xf32, #tpu.memory_space<vmem>> -> memref<1x64x128xf32, #tpu.memory_space<vmem>>
    %dma_wait3A_408 = tpu.memref_squeeze %dma_wait3A_407 : memref<1x64x128xf32, #tpu.memory_space<vmem>> -> memref<64x128xf32, #tpu.memory_space<vmem>>
    %dma_wait3A_409 = arith.constant 0 : i32
    %dma_wait3A_410 = tpu.memref_slice %arg4[%add3A_214, %dma_wait3A_409] : memref<16384x128xf32, #tpu.memory_space<hbm>> -> memref<64x128xf32, #tpu.memory_space<hbm>>
    %dma_wait3A_411 = tpu.memref_slice %arg8[%dma_wait3A_404] : memref<8x!tpu.dma_semaphore, #tpu.memory_space<semaphore_mem>> -> memref<1x!tpu.dma_semaphore, #tpu.memory_space<semaphore_mem>>
    %dma_wait3A_412 = tpu.memref_squeeze %dma_wait3A_411 : memref<1x!tpu.dma_semaphore, #tpu.memory_space<semaphore_mem>> -> memref<!tpu.dma_semaphore, #tpu.memory_space<semaphore_mem>>
    %dma_wait3A_413 = arith.constant 0 : i32
    %dma_wait3A_414 = tpu.memref_slice %arg4[%add3A_214, %dma_wait3A_413] : memref<16384x128xf32, #tpu.memory_space<hbm>> -> memref<64x128xf32, #tpu.memory_space<hbm>>
    %dma_wait3A_415 = arith.constant 0 : i32
    %dma_wait3A_416 = arith.constant 0 : i32
    %dma_wait3A_417 = tpu.memref_slice %arg6[%dma_wait3A_403, %dma_wait3A_415, %dma_wait3A_416] : memref<8x64x128xf32, #tpu.memory_space<vmem>> -> memref<1x64x128xf32, #tpu.memory_space<vmem>>
    %dma_wait3A_418 = tpu.memref_squeeze %dma_wait3A_417 : memref<1x64x128xf32, #tpu.memory_space<vmem>> -> memref<64x128xf32, #tpu.memory_space<vmem>>
    tpu.wait_dma2 semaphore(%dma_wait3A_412 : memref<!tpu.dma_semaphore, #tpu.memory_space<semaphore_mem>>) src(%dma_wait3A_418 : memref<64x128xf32, #tpu.memory_space<vmem>>) dst(%dma_wait3A_414 : memref<64x128xf32, #tpu.memory_space<hbm>>)
    %dma_wait3A_419 = arith.constant 4 : i32
    %dma_wait3A_420 = arith.constant 4 : i32
    %dma_wait3A_421 = arith.constant 0 : i32
    %dma_wait3A_422 = arith.constant 0 : i32
    %dma_wait3A_423 = tpu.memref_slice %arg6[%dma_wait3A_419, %dma_wait3A_421, %dma_wait3A_422] : memref<8x64x128xf32, #tpu.memory_space<vmem>> -> memref<1x64x128xf32, #tpu.memory_space<vmem>>
    %dma_wait3A_424 = tpu.memref_squeeze %dma_wait3A_423 : memref<1x64x128xf32, #tpu.memory_space<vmem>> -> memref<64x128xf32, #tpu.memory_space<vmem>>
    %dma_wait3A_425 = arith.constant 0 : i32
    %dma_wait3A_426 = tpu.memref_slice %arg4[%add3A_245, %dma_wait3A_425] : memref<16384x128xf32, #tpu.memory_space<hbm>> -> memref<64x128xf32, #tpu.memory_space<hbm>>
    %dma_wait3A_427 = tpu.memref_slice %arg8[%dma_wait3A_420] : memref<8x!tpu.dma_semaphore, #tpu.memory_space<semaphore_mem>> -> memref<1x!tpu.dma_semaphore, #tpu.memory_space<semaphore_mem>>
    %dma_wait3A_428 = tpu.memref_squeeze %dma_wait3A_427 : memref<1x!tpu.dma_semaphore, #tpu.memory_space<semaphore_mem>> -> memref<!tpu.dma_semaphore, #tpu.memory_space<semaphore_mem>>
    %dma_wait3A_429 = arith.constant 0 : i32
    %dma_wait3A_430 = tpu.memref_slice %arg4[%add3A_245, %dma_wait3A_429] : memref<16384x128xf32, #tpu.memory_space<hbm>> -> memref<64x128xf32, #tpu.memory_space<hbm>>
    %dma_wait3A_431 = arith.constant 0 : i32
    %dma_wait3A_432 = arith.constant 0 : i32
    %dma_wait3A_433 = tpu.memref_slice %arg6[%dma_wait3A_419, %dma_wait3A_431, %dma_wait3A_432] : memref<8x64x128xf32, #tpu.memory_space<vmem>> -> memref<1x64x128xf32, #tpu.memory_space<vmem>>
    %dma_wait3A_434 = tpu.memref_squeeze %dma_wait3A_433 : memref<1x64x128xf32, #tpu.memory_space<vmem>> -> memref<64x128xf32, #tpu.memory_space<vmem>>
    tpu.wait_dma2 semaphore(%dma_wait3A_428 : memref<!tpu.dma_semaphore, #tpu.memory_space<semaphore_mem>>) src(%dma_wait3A_434 : memref<64x128xf32, #tpu.memory_space<vmem>>) dst(%dma_wait3A_430 : memref<64x128xf32, #tpu.memory_space<hbm>>)
    %dma_wait3A_435 = arith.constant 5 : i32
    %dma_wait3A_436 = arith.constant 5 : i32
    %dma_wait3A_437 = arith.constant 0 : i32
    %dma_wait3A_438 = arith.constant 0 : i32
    %dma_wait3A_439 = tpu.memref_slice %arg6[%dma_wait3A_435, %dma_wait3A_437, %dma_wait3A_438] : memref<8x64x128xf32, #tpu.memory_space<vmem>> -> memref<1x64x128xf32, #tpu.memory_space<vmem>>
    %dma_wait3A_440 = tpu.memref_squeeze %dma_wait3A_439 : memref<1x64x128xf32, #tpu.memory_space<vmem>> -> memref<64x128xf32, #tpu.memory_space<vmem>>
    %dma_wait3A_441 = arith.constant 0 : i32
    %dma_wait3A_442 = tpu.memref_slice %arg4[%add3A_276, %dma_wait3A_441] : memref<16384x128xf32, #tpu.memory_space<hbm>> -> memref<64x128xf32, #tpu.memory_space<hbm>>
    %dma_wait3A_443 = tpu.memref_slice %arg8[%dma_wait3A_436] : memref<8x!tpu.dma_semaphore, #tpu.memory_space<semaphore_mem>> -> memref<1x!tpu.dma_semaphore, #tpu.memory_space<semaphore_mem>>
    %dma_wait3A_444 = tpu.memref_squeeze %dma_wait3A_443 : memref<1x!tpu.dma_semaphore, #tpu.memory_space<semaphore_mem>> -> memref<!tpu.dma_semaphore, #tpu.memory_space<semaphore_mem>>
    %dma_wait3A_445 = arith.constant 0 : i32
    %dma_wait3A_446 = tpu.memref_slice %arg4[%add3A_276, %dma_wait3A_445] : memref<16384x128xf32, #tpu.memory_space<hbm>> -> memref<64x128xf32, #tpu.memory_space<hbm>>
    %dma_wait3A_447 = arith.constant 0 : i32
    %dma_wait3A_448 = arith.constant 0 : i32
    %dma_wait3A_449 = tpu.memref_slice %arg6[%dma_wait3A_435, %dma_wait3A_447, %dma_wait3A_448] : memref<8x64x128xf32, #tpu.memory_space<vmem>> -> memref<1x64x128xf32, #tpu.memory_space<vmem>>
    %dma_wait3A_450 = tpu.memref_squeeze %dma_wait3A_449 : memref<1x64x128xf32, #tpu.memory_space<vmem>> -> memref<64x128xf32, #tpu.memory_space<vmem>>
    tpu.wait_dma2 semaphore(%dma_wait3A_444 : memref<!tpu.dma_semaphore, #tpu.memory_space<semaphore_mem>>) src(%dma_wait3A_450 : memref<64x128xf32, #tpu.memory_space<vmem>>) dst(%dma_wait3A_446 : memref<64x128xf32, #tpu.memory_space<hbm>>)
    %dma_wait3A_451 = arith.constant 6 : i32
    %dma_wait3A_452 = arith.constant 6 : i32
    %dma_wait3A_453 = arith.constant 0 : i32
    %dma_wait3A_454 = arith.constant 0 : i32
    %dma_wait3A_455 = tpu.memref_slice %arg6[%dma_wait3A_451, %dma_wait3A_453, %dma_wait3A_454] : memref<8x64x128xf32, #tpu.memory_space<vmem>> -> memref<1x64x128xf32, #tpu.memory_space<vmem>>
    %dma_wait3A_456 = tpu.memref_squeeze %dma_wait3A_455 : memref<1x64x128xf32, #tpu.memory_space<vmem>> -> memref<64x128xf32, #tpu.memory_space<vmem>>
    %dma_wait3A_457 = arith.constant 0 : i32
    %dma_wait3A_458 = tpu.memref_slice %arg4[%add3A_307, %dma_wait3A_457] : memref<16384x128xf32, #tpu.memory_space<hbm>> -> memref<64x128xf32, #tpu.memory_space<hbm>>
    %dma_wait3A_459 = tpu.memref_slice %arg8[%dma_wait3A_452] : memref<8x!tpu.dma_semaphore, #tpu.memory_space<semaphore_mem>> -> memref<1x!tpu.dma_semaphore, #tpu.memory_space<semaphore_mem>>
    %dma_wait3A_460 = tpu.memref_squeeze %dma_wait3A_459 : memref<1x!tpu.dma_semaphore, #tpu.memory_space<semaphore_mem>> -> memref<!tpu.dma_semaphore, #tpu.memory_space<semaphore_mem>>
    %dma_wait3A_461 = arith.constant 0 : i32
    %dma_wait3A_462 = tpu.memref_slice %arg4[%add3A_307, %dma_wait3A_461] : memref<16384x128xf32, #tpu.memory_space<hbm>> -> memref<64x128xf32, #tpu.memory_space<hbm>>
    %dma_wait3A_463 = arith.constant 0 : i32
    %dma_wait3A_464 = arith.constant 0 : i32
    %dma_wait3A_465 = tpu.memref_slice %arg6[%dma_wait3A_451, %dma_wait3A_463, %dma_wait3A_464] : memref<8x64x128xf32, #tpu.memory_space<vmem>> -> memref<1x64x128xf32, #tpu.memory_space<vmem>>
    %dma_wait3A_466 = tpu.memref_squeeze %dma_wait3A_465 : memref<1x64x128xf32, #tpu.memory_space<vmem>> -> memref<64x128xf32, #tpu.memory_space<vmem>>
    tpu.wait_dma2 semaphore(%dma_wait3A_460 : memref<!tpu.dma_semaphore, #tpu.memory_space<semaphore_mem>>) src(%dma_wait3A_466 : memref<64x128xf32, #tpu.memory_space<vmem>>) dst(%dma_wait3A_462 : memref<64x128xf32, #tpu.memory_space<hbm>>)
    %dma_wait3A_467 = arith.constant 7 : i32
    %dma_wait3A_468 = arith.constant 7 : i32
    %dma_wait3A_469 = arith.constant 0 : i32
    %dma_wait3A_470 = arith.constant 0 : i32
    %dma_wait3A_471 = tpu.memref_slice %arg6[%dma_wait3A_467, %dma_wait3A_469, %dma_wait3A_470] : memref<8x64x128xf32, #tpu.memory_space<vmem>> -> memref<1x64x128xf32, #tpu.memory_space<vmem>>
    %dma_wait3A_472 = tpu.memref_squeeze %dma_wait3A_471 : memref<1x64x128xf32, #tpu.memory_space<vmem>> -> memref<64x128xf32, #tpu.memory_space<vmem>>
    %dma_wait3A_473 = arith.constant 0 : i32
    %dma_wait3A_474 = tpu.memref_slice %arg4[%add3A_338, %dma_wait3A_473] : memref<16384x128xf32, #tpu.memory_space<hbm>> -> memref<64x128xf32, #tpu.memory_space<hbm>>
    %dma_wait3A_475 = tpu.memref_slice %arg8[%dma_wait3A_468] : memref<8x!tpu.dma_semaphore, #tpu.memory_space<semaphore_mem>> -> memref<1x!tpu.dma_semaphore, #tpu.memory_space<semaphore_mem>>
    %dma_wait3A_476 = tpu.memref_squeeze %dma_wait3A_475 : memref<1x!tpu.dma_semaphore, #tpu.memory_space<semaphore_mem>> -> memref<!tpu.dma_semaphore, #tpu.memory_space<semaphore_mem>>
    %dma_wait3A_477 = arith.constant 0 : i32
    %dma_wait3A_478 = tpu.memref_slice %arg4[%add3A_338, %dma_wait3A_477] : memref<16384x128xf32, #tpu.memory_space<hbm>> -> memref<64x128xf32, #tpu.memory_space<hbm>>
    %dma_wait3A_479 = arith.constant 0 : i32
    %dma_wait3A_480 = arith.constant 0 : i32
    %dma_wait3A_481 = tpu.memref_slice %arg6[%dma_wait3A_467, %dma_wait3A_479, %dma_wait3A_480] : memref<8x64x128xf32, #tpu.memory_space<vmem>> -> memref<1x64x128xf32, #tpu.memory_space<vmem>>
    %dma_wait3A_482 = tpu.memref_squeeze %dma_wait3A_481 : memref<1x64x128xf32, #tpu.memory_space<vmem>> -> memref<64x128xf32, #tpu.memory_space<vmem>>
    tpu.wait_dma2 semaphore(%dma_wait3A_476 : memref<!tpu.dma_semaphore, #tpu.memory_space<semaphore_mem>>) src(%dma_wait3A_482 : memref<64x128xf32, #tpu.memory_space<vmem>>) dst(%dma_wait3A_478 : memref<64x128xf32, #tpu.memory_space<hbm>>)
    return
  }
}

module attributes {stable_mosaic.version = 14 : i64} {
  func.func @_table_body(%arg0: memref<100x128xf32, #tpu.memory_space<vmem>>, %arg1: memref<128x20xf32, #tpu.memory_space<vmem>>, %arg2: memref<100x20xf32, #tpu.memory_space<vmem>>, %arg3: memref<100x128xf32, #tpu.memory_space<vmem>>) attributes {dimension_semantics = [], scalar_prefetch = 0 : i64, scratch_operands = 0 : i64, tpu.core_type = #tpu.core_type<tc>} {
    %get3A = arith.constant 0 : index
    %get3A_0 = arith.constant 0 : index
    %get3A_1 = vector.load %arg2[%get3A, %get3A_0] : memref<100x20xf32, #tpu.memory_space<vmem>>, vector<100x20xf32>
    %get3A_2 = arith.constant 0 : index
    %get3A_3 = arith.constant 0 : index
    %get3A_4 = vector.load %arg1[%get3A_2, %get3A_3] : memref<128x20xf32, #tpu.memory_space<vmem>>, vector<128x20xf32>
    %dot_general3A = arith.constant dense<0.000000e+00> : vector<100x128xf32>
    %dot_general3A_5 = tpu.matmul %get3A_1, %get3A_4, %dot_general3A {dimension_numbers = #tpu.dot_dimension_numbers<[1], [1], [0], [0], [0, 0, 1, 0], [], []>, transpose_lhs_hint = false} : vector<100x20xf32>, vector<128x20xf32>, vector<100x128xf32> -> vector<100x128xf32>
    %get3A_6 = arith.constant 0 : index
    %get3A_7 = arith.constant 0 : index
    %get3A_8 = vector.load %arg0[%get3A_6, %get3A_7] : memref<100x128xf32, #tpu.memory_space<vmem>>, vector<100x128xf32>
    %add3A = arith.addf %get3A_8, %dot_general3A_5 : vector<100x128xf32>
    %swap3A = arith.constant 0 : index
    %swap3A_9 = arith.constant 0 : index
    %swap3A_10 = vector.load %arg3[%swap3A, %swap3A_9] : memref<100x128xf32, #tpu.memory_space<vmem>>, vector<100x128xf32>
    tpu.vector_store %arg3[%swap3A, %swap3A_9], %add3A {strides = array<i32>} : memref<100x128xf32, #tpu.memory_space<vmem>>, vector<100x128xf32>,
    return
  }
}

</mosaic_0001>

<sc_bundles>
// kernel: kernel.4.cloned.1.call-start
scs
__scs_entry_jumppad:
0x0: {  	(pc) =	sbr.rel $0x88, $3  }
0x1: {  	(tag) =	ssettag $0x0;
	lr =	simm.s32 $0x1  }
0x2: {  	[smem:$0x3F9D] =	sst lr;
	_ =	strace $0xD0000000  }
0x3: {  	_ = 	snop  }
0x4: {  	_ = 	snop  }
0x5: {  	_ = 	snop  }
0x6: {  	_ = 	snop  }
0x7: {  	_ = 	snop  }
__scs_overlays_trampoline_lowered:
0x8: {  	[smem:$0x3FAC] =	sst s0  }
0x9: {  	[smem:$0x3FAD] =	sst s1  }
0xa: {  	[smem:$0x3FAE] =	sst s2  }
0xb: {  	[smem:$0x3FAF] =	sst s3  }
0xc: {  	[smem:$0x3FB0] =	sst s4  }
0xd: {  	[smem:$0x3FB1] =	sst s5  }
0xe: {  	[smem:$0x3FB2] =	sst s6  }
0xf: {  	[smem:$0x3FB3] =	sst s7  }
0x10: {  	[smem:$0x3FB4] =	sst s8  }
0x11: {  	[smem:$0x3FB5] =	sst s9;
	s0 =	simm.s32 @!p0 $0x0  }
0x12: {  	s1 =	sld [smem:$0x3F9B];
	s0 =	simm.s32 @p0 $0x1  }
0x13: {  	[smem:$0x3FB6] =	sst s0;
	s0 =	simm.s32 @!p1 $0x0  }
0x14: {  	s2 =	sld [smem:$0x3F9A];
	s0 =	simm.s32 @p1 $0x1  }
0x15: {  	[smem:$0x3FB7] =	sst s0;
	s0 =	simm.s32 @!p2 $0x0  }
0x16: {  	s3 =	sld [smem:$0x3FDB];
	s0 =	simm.s32 @p2 $0x1  }
0x17: {  	s4 =	simm.s32 $0x1BF5;
	[smem:$0x3FB9] =	sst s0  }
0x18: {  	s0 =	sld [smem:$0x3F9C];
	_ =	swait.ge [sflag:s4], $0x0  }
0x19: {  	s7 =	sld [smem:$0x3F9D]  }
0x1a: {  	s8 =	sadd.s32 $0xFFFFE003, lr  }
0x1b: {  	s9 =	sadd.s32 $0xFFFFFEF7, lr;
	s5 =	simm.s32 $0xFFFFFFFF;
	p2 =	slt.u32 s8, $0xFFFFF086  }
0x1c: {  	p1 =	slt.u32 s9, $0xF7A;
	s5 =	simm.s32 @!p2 $0x0  }
0x1d: {  	s5 =	simm.s32 @p1 $0x1;
	p0 =	seq.s32 s7, s2  }
0x1e: {  	s7 =	smul.u32 @!p0 $0xF7A, s2;
	p2 =	seq.s32 @!p0 s5, $0x0  }
0x1f: {  	s9 =	smul.u32 $0xF7A, s1;
	s8 =	simm.s32 @!p0 $0x1BF5;
	p2 =	por !p2, p0  }
0x20: {  	[sflag:s8] =	ssyncset.s32 @!p0 $0xFFFFF086;
	s6 =	sadd.s32 @!p0 s3, s7;
	s7 =	simm.s32 @!p0 $0x108  }
0x21: {  	s3 =	sadd.s32 s3, s9;
	s6 =	sadd.s32 @!p0 $0x88, s6;
	s7 =	simm.s32 @p2 $0x1082  }
0x22: {  	[simem:s7], [sflag:s8] =	dma.local @!p0 [hbm:s6], $0xF7A  }
0x23: {  	s9 =	sor.u32 $0xD0000000, s2;
	s6 =	simm.s32 $0x108;
	_ =	swait.ge @!p0 [sflag:s8], $0x0  }
0x24: {  	s3 =	sadd.s32 $0x88, s3;
	s6 =	simm.s32 @!p1 $0x1082;
	[sflag:s4] =	ssyncset.s32 $0xFFFFF086  }
0x25: {  	[simem:s6], [sflag:s4] =	dma.local [hbm:s3], $0xF7A  }
0x26: {  	[smem:$0x3F9D] =	sst s1;
	(tag) =	ssettag s2;
	_ =	strace s9  }
0x27: {  	s1 =	sld [smem:$0x3FAD]  }
0x28: {  	s2 =	sld [smem:$0x3FAE]  }
0x29: {  	s4 =	sld [smem:$0x3FB0]  }
0x2a: {  	p0 =	seq.s32 s5, $0x0;
	s5 =	sld [smem:$0x3FB1]  }
0x2b: {  	s6 =	sld [smem:$0x3FB2]  }
0x2c: {  	s7 =	sld [smem:$0x3FB3]  }
0x2d: {  	s3 =	simm.s32 $0x108;
	s8 =	sld [smem:$0x3FB4]  }
0x2e: {  	s3 =	simm.s32 @!p0 $0x1082;
	s9 =	sld [smem:$0x3FB5]  }
0x2f: {  	lr =	sadd.s32 s0, s3;
	s0 =	sld [smem:$0x3FAC]  }
0x30: {  	s3 =	sld [smem:$0x3FAF]  }
0x31: {  	[smem:$0x3FB8] =	sst s10  }
0x32: {  	s10 =	sld [smem:$0x3FB6];
	_ =	sdelay $0x3  }
0x33: {  	p0 =	seq.s32 s10, $0x1;
	s10 =	sld [smem:$0x3FB8];
	_ =	sdelay $0x3  }
0x34: {  	[smem:$0x3FB8] =	sst s10  }
0x35: {  	s10 =	sld [smem:$0x3FB7];
	_ =	sdelay $0x3  }
0x36: {  	p1 =	seq.s32 s10, $0x1;
	s10 =	sld [smem:$0x3FB8];
	_ =	sdelay $0x3  }
0x37: {  	[smem:$0x3FB8] =	sst s10  }
0x38: {  	s10 =	sld [smem:$0x3FB9]  }
0x39: {  	_ = 	snop;
	(pc) =	sbr.ind lr, $3  }
0x3a: {  	_ = 	snop  }
0x3b: {  	_ = 	snop  }
0x3c: {  	p2 =	seq.s32 s10, $0x1;
	s10 =	sld [smem:$0x3FB8]  }
0x3d: {  	_ =	shalt  }
0x3e: {  	_ =	shalt  }
0x3f: {  	_ =	shalt  }
0x40: {  	_ =	shalt  }
0x41: {  	_ =	shalt  }
0x42: {  	_ =	shalt  }
0x43: {  	_ =	shalt  }
0x44: {  	_ =	shalt  }
0x45: {  	_ =	shalt  }
0x46: {  	_ =	shalt  }
0x47: {  	_ =	shalt  }
0x48: {  	_ =	shalt  }
0x49: {  	_ =	shalt  }
0x4a: {  	_ =	shalt  }
0x4b: {  	_ =	shalt  }
0x4c: {  	_ =	shalt  }
0x4d: {  	_ =	shalt  }
0x4e: {  	_ =	shalt  }
0x4f: {  	_ =	shalt  }
0x50: {  	_ =	shalt  }
0x51: {  	_ =	shalt  }
0x52: {  	_ =	shalt  }
0x53: {  	_ =	shalt  }
0x54: {  	_ =	shalt  }
0x55: {  	_ =	shalt  }
0x56: {  	_ =	shalt  }
0x57: {  	_ =	shalt  }
0x58: {  	_ =	shalt  }
0x59: {  	_ =	shalt  }
0x5a: {  	_ =	shalt  }
0x5b: {  	_ =	shalt  }
0x5c: {  	_ =	shalt  }
0x5d: {  	_ =	shalt  }
0x5e: {  	_ =	shalt  }
0x5f: {  	_ =	shalt  }
0x60: {  	_ =	shalt  }
0x61: {  	_ =	shalt  }
0x62: {  	_ =	shalt  }
0x63: {  	_ =	shalt  }
0x64: {  	_ =	shalt  }
0x65: {  	_ =	shalt  }
0x66: {  	_ =	shalt  }
0x67: {  	_ =	shalt  }
0x68: {  	_ =	shalt  }
0x69: {  	_ =	shalt  }
0x6a: {  	_ =	shalt  }
0x6b: {  	_ =	shalt  }
0x6c: {  	_ =	shalt  }
0x6d: {  	_ =	shalt  }
0x6e: {  	_ =	shalt  }
0x6f: {  	_ =	shalt  }
0x70: {  	_ =	shalt  }
0x71: {  	_ =	shalt  }
0x72: {  	_ =	shalt  }
0x73: {  	_ =	shalt  }
0x74: {  	_ =	shalt  }
0x75: {  	_ =	shalt  }
0x76: {  	_ =	shalt  }
0x77: {  	_ =	shalt  }
0x78: {  	_ =	shalt  }
0x79: {  	_ =	shalt  }
0x7a: {  	_ =	shalt  }
0x7b: {  	_ =	shalt  }
0x7c: {  	_ =	shalt  }
0x7d: {  	_ =	shalt  }
0x7e: {  	_ =	shalt  }
0x7f: {  	_ =	shalt  }
0x80: {  	_ =	shalt  }
0x81: {  	_ =	shalt  }
0x82: {  	_ =	shalt  }
0x83: {  	_ =	shalt  }
0x84: {  	_ =	shalt  }
0x85: {  	_ =	shalt  }
0x86: {  	_ =	shalt  }
0x87: {  	_ =	shalt  }
.Lfunc_end0:
.L_simem_size_0:
called_computation_lowered:
.L_overlay_start_0:
0x88: {  	s2 =	sld [smem:$0x3FD9]  }
0x89: {  	s3 =	sld [smem:$0x3FFE];
	_ =	sdelay $0x1  }
0x8a: {  	s1 =	srdreg.scid  }
0x8b: {  	s0 =	sand.u32 $0x1, s1  }
0x8c: {  	s17 =	sshll.u32 s0, $0xA;
	s2 =	sadd.s32 s3, s2  }
0x8d: {  	s2 =	sadd.s32 s2, s17  }
0x8e: {  	[smem:$0x3FC4] =	sst s2  }
0x8f: {  	_ = 	snop  }
0x90: {  	s2 =	sld [smem:$0x3FC9]  }
0x91: {  	s18 =	sld [smem:$0x3FD0];
	(tm) =	ssettm $0x1  }
0x92: {  	s4 =	sld [smem:$0x3FFB];
	_ =	sdelay $0x3  }
0x93: {  	_ =	strace s4  }
0x94: {  	s4 =	sld [smem:$0x3FFC];
	_ =	sdelay $0x3  }
0x95: {  	_ =	strace s4  }
0x96: {  	s4 =	sld [smem:$0x3FFD];
	_ =	sdelay $0x3  }
0x97: {  	_ =	strace s4  }
0x98: {  	_ =	strace $0x8FFFFFFF  }
0x99: {  	s19 =	sld [smem:$0x3FDB];
	_ =	sdelay $0x1  }
0x9a: {  	s5 =	simm.s32 $_scs_section_size  }
0x9b: {  	s6 =	simm.s32 $_size__tile_overlayer_lowered;
	s7 =	simm.s32 $_tile_overlayer_lowered  }
0x9c: {  	s22 =	simm.s32 $0x1BFF;
	s21 =	sshll.u32 s7, $0x1;
	s4 =	sadd.s32 s5, s19  }
0x9d: {  	s8 =	simm.s32 $0x0;
	s20 =	sshll.u32 s6, $0x1;
	s6 =	sadd.s32 s21, s4  }
0x9e: {  	[timem:s8], [sflag:s22] =	dma.local [hbm:s6], s20  }
0x9f: {  	_ =	swait.ge [sflag:s22], s20  }
0xa0: {  	s5 =	ssub.s32 $0x0, s20;
	[sflag:s22] =	ssyncset.done $0x0  }
0xa1: {  	[sflag:s22] =	ssyncadd.s32 s5;
	_ =	sdelay $0x1  }
0xa2: {  	s23 =	simm.s32 $0x1B8B  }
0xa3: {  	_ =	swait.ge [sflag:s23], $0x1  }
0xa4: {  	[sflag:s23] =	ssyncset.done $0x0  }
0xa5: {  	s25 =	simm.s32 $0x1B8E;
	s24 =	sld [smem:$0x3FFE];
	[sflag:s23] =	ssyncadd.s32 $0xFFFFFFFF  }
0xa6: {  	s26 =	simm.s32 $execute0_lowered;
	[smem:$0x3FD2] =	sst s25  }
0xa7: {  	s6 =	sshll.u32 s26, $0x1;
	_ =	strace $0x80000046;
	[dreg:$0x1] =	wrdreg $0xFFFFFFFF  }
0xa8: {  	s28 =	simm.s32 $_size_execute0_lowered;
	s4 =	sadd.s32 s4, s6;
	[dreg:$0x0] =	wrdreg $0x0  }
0xa9: {  	s6 =	sshll.u32 s28, $0x1;
	[dreg:$0x2] =	wrdreg s4  }
0xaa: {  	[dreg:$0x3] =	wrdreg s6  }
0xab: {  	[dreg:$0x4] =	wrdreg $0xC0  }
0xac: {  	_ =	task [dreg:s8], $0x5FFFF  }
0xad: {  	[dreg:$0x1] =	wrdreg $0xFFFFFFFF  }
0xae: {  	[dreg:$0x0] =	wrdreg $0x60  }
0xaf: {  	[dreg:$0x2] =	wrdreg s24  }
0xb0: {  	[dreg:$0x3] =	wrdreg s2  }
0xb1: {  	[dreg:$0x4] =	wrdreg s18  }
0xb2: {  	[dreg:$0x5] =	wrdreg $0x0  }
0xb3: {  	[dreg:$0x6] =	wrdreg $0x9  }
0xb4: {  	_ =	task.clear_ibuf [dreg:s8], $0x7FFFF;
	_ =	strace $0x90000046  }
0xb5: {  	s29 =	simm.s32 $0x9;
	_ =	strace $0x80000048  }
0xb6: {  	_ =	swait.ge [sflag:s29], $0x1  }
0xb7: {  	[sflag:s29] =	ssyncadd.s32 $0xFFFFFFFF  }
0xb8: {  	_ =	strace $0x90000048  }
0xb9: {  	_ =	sfence  }
0xba: {  	s30 =	sld [smem:$0x0];
	_ =	sdelay $0x2  }
0xbb: {  	s31 =	sshll.u32 s1, $0xD;
	s1 =	sshrl.u32 s1, $0x2  }
0xbc: {  	s3 =	sand.u32 $0x4000, s31;
	s1 =	sadd.s32 s1, s30  }
0xbd: {  	s0 =	sor.u32 s3, s0;
	s1 =	sshll.u32 s1, $0x11  }
0xbe: {  	s0 =	sor.u32 s1, s0  }
0xbf: {  	s0 =	sadd.s32 $0x8F2B, s0  }
0xc0: {  	[sflag:s0] =	ssyncadd.remote.s32 $0x1  }
0xc1: {  	_ =	sfence.sel $0xFFFF  }
0xc2: {  	[dreg:$0x0] =	wrdreg $0xFFFFFFFF;
	(pc) =	sbr.abs _section_cstart, $3  }
0xc3: {  	[dreg:$0x1] =	wrdreg $0xFFFFFFFF  }
0xc4: {  	_ =	task.clear_ibuf [dreg:s8], $0x2FFFF;
	_ =	strace $0x9FFFFFFF  }
0xc5: {  	(tm) =	ssettm $0x7FFFFFFF  }
tec
execute0_lowered:
.L_overlay_start_1:
0x0: {  	(tag) =	ssettag $0x1  }
0x1: {  	s3 =	rddreg [dreg:$0x0]  }
0x2: {  	s4 =	rddreg [dreg:$0x1]  }
0x3: {  	s5 =	rddreg [dreg:$0x2]  }
0x4: {  	s1 =	rddreg [dreg:$0x3]  }
0x5: {  	s0 =	srdreg.scid;
	s2 =	simm.s32 $0x0;
	s6 =	stileid.u32  }
0x6: {  	s9 =	simm.s32 $0x103E0;
	[smem:$0x7FF] =	sst s2;
	s3 =	sadd.s32 $0x800, s3  }
0x7: {  	s10 =	simm.s32 $0x10420;
	_ =	strace $0x80000047;
	[dreg:$0x5] =	wrdreg s3  }
0x8: {  	s11 =	simm.s32 $0x10460;
	s12 =	simm.s32 $0x104A0;
	[dreg:$0x11] =	wrdreg s9  }
0x9: {  	s14 =	simm.s32 $0x104E0;
	s0 =	sand.u32 $0x1, s0;
	[dreg:$0x12] =	wrdreg s10  }
0xa: {  	s7 =	sshll.u32 s6, $0xA;
	s8 =	sshll.u32 s0, $0x9;
	[dreg:$0x13] =	wrdreg s11  }
0xb: {  	p0 =	sne.s32 s6, $0x0;
	[dreg:$0x14] =	wrdreg s12;
	s7 =	sor.u32 s8, s7  }
0xc: {  	s3 =	sshrl.u32 @!p0 s1, $0x3;
	[dreg:$0x15] =	wrdreg s14;
	s8 =	sshrl.u32 s7, $0x3  }
0xd: {  	[dreg:$0xe] =	wrdreg s3;
	s7 =	sshll.u32 s7, $0x4;
	s18 =	sadd.s32 s4, s8  }
0xe: {  	s19 =	sadd.s32 s5, s7;
	s7 =	simm.s32 $0x10360;
	[dreg:$0x6] =	wrdreg s18  }
0xf: {  	s8 =	simm.s32 $0x103A0;
	[dreg:$0xf] =	wrdreg s7  }
0x10: {  	s21 =	sadd.s32 $0x400, s19;
	[dreg:$0x10] =	wrdreg s8  }
0x11: {  	s22 =	sadd.s32 $0x800, s19;
	[dreg:$0x7] =	wrdreg s21  }
0x12: {  	s23 =	sadd.s32 $0xC00, s19;
	[dreg:$0x8] =	wrdreg s22  }
0x13: {  	s24 =	sadd.s32 $0x1000, s19;
	[dreg:$0x9] =	wrdreg s23  }
0x14: {  	s25 =	sadd.s32 $0x1400, s19;
	[dreg:$0xa] =	wrdreg s24  }
0x15: {  	s26 =	sadd.s32 $0x1800, s19;
	[dreg:$0xb] =	wrdreg s25  }
0x16: {  	s5 =	sadd.s32 $0x1C00, s19;
	[dreg:$0xc] =	wrdreg s26  }
0x17: {  	[dreg:$0xd] =	wrdreg s5  }
0x18: {  	s9 =	simm.s32 $0x10320;
	s13 =	rddreg [dreg:$0x6];
	s5 =	simm.s32 $0x11  }
0x19: {  	[tilespmem:s9], [sflag:$0x11] =	stream.linear.gather [hbm4b:s13+s2], $0x200, $0x38;
	[tilespmem:$0x10520] =	vst v63  }
0x1a: {  	_ =	swait.ge [sflag:s5], $0x200  }
0x1b: {  	s8 =	simm.s32 @!p0 $0x1C11;
	s3 =	rddreg [dreg:$0x5];
	[sflag:s5] =	ssyncset.done $0x0  }
0x1c: {  	s7 =	simm.s32 @!p0 $0x11;
	s6 =	rddreg [dreg:$0xe];
	[sflag:s5] =	ssyncadd.s32 $0xFFFFFE00  }
0x1d: {  	[spmem:s6], [sflag:s8] =	dma.local @!p0 [hbm:s3], $0x640  }
0x1e: {  	_ =	swait.ge @!p0 [sflag:s7], $0x640  }
0x1f: {  	[sflag:s7] =	ssyncset.done @!p0 $0x0  }
0x20: {  	[sflag:s7] =	ssyncadd.s32 @!p0 $0xFFFFF9C0  }
0x21: {  	s10 =	simm.s32 $0x320;
	s8 =	simm.s32 $0x40;
	[bflag:$0x0] =	sbarrier.arrive $0xFFFF  }
0x22: {  	[tilespmem:s10], [sflag:$0x9] =	stream.indirect.gather [spmem:s1], $0x80, s9, s8, $0xb8;
	[tilespmem:$0x10520] =	vst v63  }
0x23: {  	s16 =	simm.s32 $0x2320;
	s15 =	rddreg [dreg:$0xf]  }
0x24: {  	[tilespmem:s16], [sflag:$0xA] =	stream.indirect.gather [spmem:s1], $0x80, s15, s8, $0xb8;
	[tilespmem:$0x10520] =	vst v63  }
0x25: {  	s12 =	simm.s32 $0x4320;
	s20 =	rddreg [dreg:$0x10]  }
0x26: {  	[tilespmem:s12], [sflag:$0xB] =	stream.indirect.gather [spmem:s1], $0x80, s20, s8, $0xb8;
	[tilespmem:$0x10520] =	vst v63  }
0x27: {  	s13 =	simm.s32 $0x6320;
	s21 =	rddreg [dreg:$0x11]  }
0x28: {  	[tilespmem:s13], [sflag:$0xC] =	stream.indirect.gather [spmem:s1], $0x80, s21, s8, $0xb8;
	[tilespmem:$0x10520] =	vst v63  }
0x29: {  	s14 =	simm.s32 $0x8320;
	s22 =	rddreg [dreg:$0x12]  }
0x2a: {  	[tilespmem:s14], [sflag:$0xD] =	stream.indirect.gather [spmem:s1], $0x80, s22, s8, $0xb8;
	[tilespmem:$0x10520] =	vst v63  }
0x2b: {  	s11 =	simm.s32 $0xA320;
	s23 =	rddreg [dreg:$0x13]  }
0x2c: {  	[tilespmem:s11], [sflag:$0xE] =	stream.indirect.gather [spmem:s1], $0x80, s23, s8, $0xb8;
	[tilespmem:$0x10520] =	vst v63  }
0x2d: {  	s24 =	rddreg [dreg:$0x14];
	s15 =	simm.s32 $0xC320  }
0x2e: {  	[tilespmem:s15], [sflag:$0xF] =	stream.indirect.gather [spmem:s1], $0x80, s24, s8, $0xb8;
	[tilespmem:$0x10520] =	vst v63  }
0x2f: {  	s17 =	simm.s32 $0x9;
	s26 =	simm.s32 $0xE320;
	s25 =	rddreg [dreg:$0x15]  }
0x30: {  	[tilespmem:s26], [sflag:$0x10] =	stream.indirect.gather [spmem:s1], $0x80, s25, s8, $0xb8;
	[tilespmem:$0x10520] =	vst v63  }
0x31: {  	_ =	swait.ge [sflag:s17], $0x2000  }
0x32: {  	[sflag:s17] =	ssyncset.done $0x0  }
0x33: {  	s18 =	simm.s32 $0xA;
	[dreg:$0x16] =	wrdreg s19;
	[sflag:s17] =	ssyncadd.s32 $0xFFFFE000  }
0x34: {  	[hbm4b:s19+s2] =	stream.linear.scatter [tilespmem:s10], [sflag:$0x1], $0x2000, $0x38;
	[tilespmem:$0x10520] =	vst v63  }
0x35: {  	_ =	swait.ge [sflag:s18], $0x2000  }
0x36: {  	[sflag:s18] =	ssyncset.done $0x0  }
0x37: {  	s19 =	simm.s32 $0xB;
	s4 =	rddreg [dreg:$0x7];
	[sflag:s18] =	ssyncadd.s32 $0xFFFFE000  }
0x38: {  	[hbm4b:s4+s2] =	stream.linear.scatter [tilespmem:s16], [sflag:$0x2], $0x2000, $0x38;
	[tilespmem:$0x10520] =	vst v63  }
0x39: {  	_ =	swait.ge [sflag:s19], $0x2000  }
0x3a: {  	[sflag:s19] =	ssyncset.done $0x0  }
0x3b: {  	s20 =	simm.s32 $0xC;
	s9 =	rddreg [dreg:$0x8];
	[sflag:s19] =	ssyncadd.s32 $0xFFFFE000  }
0x3c: {  	[hbm4b:s9+s2] =	stream.linear.scatter [tilespmem:s12], [sflag:$0x3], $0x2000, $0x38;
	[tilespmem:$0x10520] =	vst v63  }
0x3d: {  	_ =	swait.ge [sflag:s20], $0x2000  }
0x3e: {  	[sflag:s20] =	ssyncset.done $0x0  }
0x3f: {  	s21 =	simm.s32 $0xD;
	s10 =	rddreg [dreg:$0x9];
	[sflag:s20] =	ssyncadd.s32 $0xFFFFE000  }
0x40: {  	[hbm4b:s10+s2] =	stream.linear.scatter [tilespmem:s13], [sflag:$0x4], $0x2000, $0x38;
	[tilespmem:$0x10520] =	vst v63  }
0x41: {  	_ =	swait.ge [sflag:s21], $0x2000  }
0x42: {  	[sflag:s21] =	ssyncset.done $0x0  }
0x43: {  	s22 =	simm.s32 $0xE;
	s12 =	rddreg [dreg:$0xa];
	[sflag:s21] =	ssyncadd.s32 $0xFFFFE000  }
0x44: {  	[hbm4b:s12+s2] =	stream.linear.scatter [tilespmem:s14], [sflag:$0x5], $0x2000, $0x38;
	[tilespmem:$0x10520] =	vst v63  }
0x45: {  	_ =	swait.ge [sflag:s22], $0x2000  }
0x46: {  	[sflag:s22] =	ssyncset.done $0x0  }
0x47: {  	s23 =	simm.s32 $0xF;
	s13 =	rddreg [dreg:$0xb];
	[sflag:s22] =	ssyncadd.s32 $0xFFFFE000  }
0x48: {  	[hbm4b:s13+s2] =	stream.linear.scatter [tilespmem:s11], [sflag:$0x6], $0x2000, $0x38;
	[tilespmem:$0x10520] =	vst v63  }
0x49: {  	_ =	swait.ge [sflag:s23], $0x2000  }
0x4a: {  	[sflag:s23] =	ssyncset.done $0x0  }
0x4b: {  	s24 =	simm.s32 $0x10;
	s14 =	rddreg [dreg:$0xc];
	[sflag:s23] =	ssyncadd.s32 $0xFFFFE000  }
0x4c: {  	[hbm4b:s14+s2] =	stream.linear.scatter [tilespmem:s15], [sflag:$0x7], $0x2000, $0x38;
	[tilespmem:$0x10520] =	vst v63  }
0x4d: {  	_ =	swait.ge [sflag:s24], $0x2000  }
0x4e: {  	[sflag:s24] =	ssyncset.done $0x0  }
0x4f: {  	s25 =	simm.s32 $0x1;
	s15 =	rddreg [dreg:$0xd];
	[sflag:s24] =	ssyncadd.s32 $0xFFFFE000  }
0x50: {  	[hbm4b:s15+s2] =	stream.linear.scatter [tilespmem:s26], [sflag:$0x8], $0x2000, $0x38;
	[tilespmem:$0x10520] =	vst v63  }
0x51: {  	_ =	swait.ge [sflag:s25], $0x2000  }
0x52: {  	[sflag:s25] =	ssyncset.done $0x0  }
0x53: {  	s26 =	simm.s32 $0x2;
	[sflag:s25] =	ssyncadd.s32 $0xFFFFE000  }
0x54: {  	_ =	swait.ge [sflag:s26], $0x2000  }
0x55: {  	[sflag:s26] =	ssyncset.done $0x0  }
0x56: {  	s28 =	simm.s32 $0x3;
	[sflag:s26] =	ssyncadd.s32 $0xFFFFE000  }
0x57: {  	_ =	swait.ge [sflag:s28], $0x2000  }
0x58: {  	[sflag:s28] =	ssyncset.done $0x0  }
0x59: {  	s29 =	simm.s32 $0x4;
	[sflag:s28] =	ssyncadd.s32 $0xFFFFE000  }
0x5a: {  	_ =	swait.ge [sflag:s29], $0x2000  }
0x5b: {  	s0 =	ssub.s32 $0x2, s0;
	[sflag:s29] =	ssyncset.done $0x0  }
0x5c: {  	s30 =	simm.s32 $0x5;
	s16 =	sshrl.u32 s0, $0x1;
	[sflag:s29] =	ssyncadd.s32 $0xFFFFE000  }
0x5d: {  	s0 =	ssub.s32 s0, s16;
	_ =	swait.ge [sflag:s30], $0x2000  }
0x5e: {  	s3 =	smax.u32 s0, $0x1;
	[sflag:s30] =	ssyncset.done $0x0  }
0x5f: {  	s31 =	simm.s32 $0x6;
	s6 =	sadd.s32 $0xFFFFFFFF, s3;
	[sflag:s30] =	ssyncadd.s32 $0xFFFFE000  }
0x60: {  	p1 =	sne.s32 s6, $0x0;
	_ =	swait.ge [sflag:s31], $0x2000  }
.Ltmp0:
0x61: {  	[sflag:s31] =	ssyncset.done $0x0;
	(pc) =	sbr.rel @!p1 .LBB2_3-.Ltmp0, $4  }
0x62: {  	s0 =	simm.s32 $0x7;
	[sflag:s31] =	ssyncadd.s32 $0xFFFFE000  }
0x63: {  	_ =	swait.ge [sflag:s0], $0x2000  }
0x64: {  	[sflag:s0] =	ssyncset.done $0x0  }
0x65: {  	s3 =	simm.s32 $0x8;
	[sflag:s0] =	ssyncadd.s32 $0xFFFFE000  }
0x66: {  	s13 =	simm.s32 $0x2320;
	s14 =	simm.s32 $0x4320  }
0x67: {  	s15 =	simm.s32 $0x6320;
	s16 =	simm.s32 $0x8320;
	s11 =	simm.s32 $0xA320  }
.LBB2_2:
0x68: {  	_ =	swait.ge [sflag:s3], $0x2000  }
0x69: {  	[sflag:s3] =	ssyncset.done $0x0  }
0x6a: {  	s10 =	simm.s32 $0x10320;
	s4 =	rddreg [dreg:$0x6];
	[sflag:s3] =	ssyncadd.s32 $0xFFFFE000  }
0x6b: {  	[tilespmem:s10], [sflag:$0x11] =	stream.linear.gather [hbm4b:s4+s2], $0x200, $0x38;
	[tilespmem:$0x10520] =	vst v63  }
0x6c: {  	_ =	swait.ge [sflag:s5], $0x200  }
0x6d: {  	[sflag:s5] =	ssyncset.done $0x0;
	s4 =	rddreg [dreg:$0x5]  }
0x6e: {  	s12 =	simm.s32 @!p0 $0x1C11;
	s9 =	rddreg [dreg:$0xe];
	[sflag:s5] =	ssyncadd.s32 $0xFFFFFE00  }
0x6f: {  	[spmem:s9], [sflag:s12] =	dma.local @!p0 [hbm:s4], $0x640  }
0x70: {  	_ =	swait.ge @!p0 [sflag:s7], $0x640  }
0x71: {  	[sflag:s7] =	ssyncset.done @!p0 $0x0  }
0x72: {  	[sflag:s7] =	ssyncadd.s32 @!p0 $0xFFFFF9C0  }
0x73: {  	s12 =	simm.s32 $0x320;
	[bflag:$0x0] =	sbarrier.arrive $0xFFFF  }
0x74: {  	[tilespmem:s12], [sflag:$0x9] =	stream.indirect.gather [spmem:s1], $0x80, s10, s8, $0xb8;
	[tilespmem:$0x10520] =	vst v63  }
0x75: {  	s4 =	rddreg [dreg:$0xf]  }
0x76: {  	[tilespmem:s13], [sflag:$0xA] =	stream.indirect.gather [spmem:s1], $0x80, s4, s8, $0xb8;
	[tilespmem:$0x10520] =	vst v63  }
0x77: {  	s10 =	rddreg [dreg:$0x10]  }
0x78: {  	[tilespmem:s14], [sflag:$0xB] =	stream.indirect.gather [spmem:s1], $0x80, s10, s8, $0xb8;
	[tilespmem:$0x10520] =	vst v63  }
0x79: {  	s9 =	rddreg [dreg:$0x11]  }
0x7a: {  	[tilespmem:s15], [sflag:$0xC] =	stream.indirect.gather [spmem:s1], $0x80, s9, s8, $0xb8;
	[tilespmem:$0x10520] =	vst v63  }
0x7b: {  	s4 =	rddreg [dreg:$0x12]  }
0x7c: {  	[tilespmem:s16], [sflag:$0xD] =	stream.indirect.gather [spmem:s1], $0x80, s4, s8, $0xb8;
	[tilespmem:$0x10520] =	vst v63  }
0x7d: {  	s10 =	rddreg [dreg:$0x13]  }
0x7e: {  	[tilespmem:s11], [sflag:$0xE] =	stream.indirect.gather [spmem:s1], $0x80, s10, s8, $0xb8;
	[tilespmem:$0x10520] =	vst v63  }
0x7f: {  	s9 =	rddreg [dreg:$0x14];
	s10 =	simm.s32 $0xC320  }
0x80: {  	[tilespmem:s10], [sflag:$0xF] =	stream.indirect.gather [spmem:s1], $0x80, s9, s8, $0xb8;
	[tilespmem:$0x10520] =	vst v63  }
0x81: {  	s4 =	rddreg [dreg:$0x15];
	s9 =	simm.s32 $0xE320  }
0x82: {  	[tilespmem:s9], [sflag:$0x10] =	stream.indirect.gather [spmem:s1], $0x80, s4, s8, $0xb8;
	[tilespmem:$0x10520] =	vst v63  }
0x83: {  	_ =	swait.ge [sflag:s17], $0x2000  }
0x84: {  	[sflag:s17] =	ssyncset.done $0x0  }
0x85: {  	s4 =	rddreg [dreg:$0x16];
	[sflag:s17] =	ssyncadd.s32 $0xFFFFE000  }
0x86: {  	[hbm4b:s4+s2] =	stream.linear.scatter [tilespmem:s12], [sflag:$0x1], $0x2000, $0x38;
	[tilespmem:$0x10520] =	vst v63  }
0x87: {  	_ =	swait.ge [sflag:s18], $0x2000  }
0x88: {  	[sflag:s18] =	ssyncset.done $0x0  }
0x89: {  	s12 =	rddreg [dreg:$0x7];
	[sflag:s18] =	ssyncadd.s32 $0xFFFFE000  }
0x8a: {  	[hbm4b:s12+s2] =	stream.linear.scatter [tilespmem:s13], [sflag:$0x2], $0x2000, $0x38;
	[tilespmem:$0x10520] =	vst v63  }
0x8b: {  	_ =	swait.ge [sflag:s19], $0x2000  }
0x8c: {  	[sflag:s19] =	ssyncset.done $0x0  }
0x8d: {  	s12 =	rddreg [dreg:$0x8];
	[sflag:s19] =	ssyncadd.s32 $0xFFFFE000  }
0x8e: {  	[hbm4b:s12+s2] =	stream.linear.scatter [tilespmem:s14], [sflag:$0x3], $0x2000, $0x38;
	[tilespmem:$0x10520] =	vst v63  }
0x8f: {  	_ =	swait.ge [sflag:s20], $0x2000  }
0x90: {  	[sflag:s20] =	ssyncset.done $0x0  }
0x91: {  	s12 =	rddreg [dreg:$0x9];
	[sflag:s20] =	ssyncadd.s32 $0xFFFFE000  }
0x92: {  	[hbm4b:s12+s2] =	stream.linear.scatter [tilespmem:s15], [sflag:$0x4], $0x2000, $0x38;
	[tilespmem:$0x10520] =	vst v63  }
0x93: {  	_ =	swait.ge [sflag:s21], $0x2000  }
0x94: {  	[sflag:s21] =	ssyncset.done $0x0  }
0x95: {  	s12 =	rddreg [dreg:$0xa];
	[sflag:s21] =	ssyncadd.s32 $0xFFFFE000  }
0x96: {  	[hbm4b:s12+s2] =	stream.linear.scatter [tilespmem:s16], [sflag:$0x5], $0x2000, $0x38;
	[tilespmem:$0x10520] =	vst v63  }
0x97: {  	_ =	swait.ge [sflag:s22], $0x2000  }
0x98: {  	[sflag:s22] =	ssyncset.done $0x0  }
0x99: {  	s12 =	rddreg [dreg:$0xb];
	[sflag:s22] =	ssyncadd.s32 $0xFFFFE000  }
0x9a: {  	[hbm4b:s12+s2] =	stream.linear.scatter [tilespmem:s11], [sflag:$0x6], $0x2000, $0x38;
	[tilespmem:$0x10520] =	vst v63  }
0x9b: {  	_ =	swait.ge [sflag:s23], $0x2000  }
0x9c: {  	[sflag:s23] =	ssyncset.done $0x0  }
0x9d: {  	s12 =	rddreg [dreg:$0xc];
	[sflag:s23] =	ssyncadd.s32 $0xFFFFE000  }
0x9e: {  	[hbm4b:s12+s2] =	stream.linear.scatter [tilespmem:s10], [sflag:$0x7], $0x2000, $0x38;
	[tilespmem:$0x10520] =	vst v63  }
0x9f: {  	_ =	swait.ge [sflag:s24], $0x2000  }
0xa0: {  	[sflag:s24] =	ssyncset.done $0x0  }
0xa1: {  	s12 =	rddreg [dreg:$0xd];
	[sflag:s24] =	ssyncadd.s32 $0xFFFFE000  }
0xa2: {  	[hbm4b:s12+s2] =	stream.linear.scatter [tilespmem:s9], [sflag:$0x8], $0x2000, $0x38;
	[tilespmem:$0x10520] =	vst v63  }
0xa3: {  	_ =	swait.ge [sflag:s25], $0x2000  }
0xa4: {  	[sflag:s25] =	ssyncset.done $0x0  }
0xa5: {  	[sflag:s25] =	ssyncadd.s32 $0xFFFFE000  }
0xa6: {  	_ =	swait.ge [sflag:s26], $0x2000  }
0xa7: {  	[sflag:s26] =	ssyncset.done $0x0  }
0xa8: {  	[sflag:s26] =	ssyncadd.s32 $0xFFFFE000  }
0xa9: {  	_ =	swait.ge [sflag:s28], $0x2000  }
0xaa: {  	[sflag:s28] =	ssyncset.done $0x0  }
0xab: {  	[sflag:s28] =	ssyncadd.s32 $0xFFFFE000  }
0xac: {  	_ =	swait.ge [sflag:s29], $0x2000  }
0xad: {  	[sflag:s29] =	ssyncset.done $0x0  }
0xae: {  	[sflag:s29] =	ssyncadd.s32 $0xFFFFE000  }
0xaf: {  	_ =	swait.ge [sflag:s30], $0x2000  }
0xb0: {  	[sflag:s30] =	ssyncset.done $0x0  }
0xb1: {  	s6 =	sadd.s32 $0xFFFFFFFF, s6;
	[sflag:s30] =	ssyncadd.s32 $0xFFFFE000  }
0xb2: {  	p1 =	sne.s32 s6, $0x0;
	_ =	swait.ge [sflag:s31], $0x2000  }
.Ltmp1:
0xb3: {  	[sflag:s31] =	ssyncset.done $0x0;
	(pc) =	sbr.rel @p1 .LBB2_2-.Ltmp1, $4  }
0xb4: {  	[sflag:s31] =	ssyncadd.s32 $0xFFFFE000  }
0xb5: {  	_ =	swait.ge [sflag:s0], $0x2000  }
0xb6: {  	[sflag:s0] =	ssyncset.done $0x0  }
0xb7: {  	[sflag:s0] =	ssyncadd.s32 $0xFFFFE000  }
.LBB2_3:
0xb8: {  	_ =	swait.ge [sflag:s3], $0x2000  }
0xb9: {  	[sflag:s3] =	ssyncset.done $0x0  }
0xba: {  	[sflag:s3] =	ssyncadd.s32 $0xFFFFE000  }
0xbb: {  	_ =	sfence.sel $0x180000  }
0xbc: {  	[bflag:$0x0] =	sbarrier.arrive $0xFFFF  }
0xbd: {  	_ =	strace $0x90000047  }
0xbe: {  	[bflag:$0x2] =	sbarrier.arrive $0xFFFF  }
0xbf: {  	s0 =	rddreg [dreg:$0x4]  }
0xc0: {  	s0 =	sadd.s32 @!p0 $0x100000, s0  }
0xc1: {  	[sflag:s0] =	ssyncadd.tile.s32 @!p0 $0x1;
	_ =	shalt  }
.Lfunc_end2:
_tile_overlayer_lowered:
.L_overlay_start_2:
0xc2: {  	(tag) =	ssettag $0x2  }
0xc3: {  	s0 =	rddreg [dreg:$0x0];
	s2 =	stileid.u32  }
0xc4: {  	s1 =	rddreg [dreg:$0x1];
	p0 =	sne.s32 s2, $0x0  }
0xc5: {  	s3 =	rddreg [dreg:$0x2];
	[bflag:$0x3] =	sbarrier.arrive $0xFFFF;
	s2 =	simm.s32 @!p0 $0x1C11  }
0xc6: {  	[timem:s3], [sflag:s2] =	dma.local @!p0 [hbm:s0], s1  }
0xc7: {  	s0 =	simm.s32 @!p0 $0x11  }
0xc8: {  	_ =	swait.ge @!p0 [sflag:s0], s1  }
0xc9: {  	s1 =	ssub.s32 @!p0 $0x0, s1;
	[sflag:s0] =	ssyncset.done @!p0 $0x0  }
0xca: {  	[sflag:s0] =	ssyncadd.s32 @!p0 s1  }
0xcb: {  	[bflag:$0x3] =	sbarrier.arrive $0xFFFF  }
0xcc: {  	_ =	shalt  }

</sc_bundles>
